<compile_context>
chip_gen: v7x
topology: tpu7x:2x2x1
jax: 0.10.2.dev20260603
libtpu: 0.0.44.dev20260713+nightly
codegen_flags: <defaults>
</compile_context>

<pallas_src>
import jax
import jax.numpy as jnp
from jax import lax
from jax.experimental import pallas as pl
from jax.experimental.pallas import tpu as pltpu
from jax.experimental.pallas import tpu_sc as plsc

B, S, H = 4, 2048, 1024
MAX_DEPTH = 16
PU = 64
TAG_V = 256
SUB_V = 1024
EPS = 1e-12

N = B * S
R = N * MAX_DEPTH

NC, NS = 2, 16
NW = NC * NS
CHUNK = 128


def _sc_gather(tag_tab_flat, sub_tab_flat, tag_idx_flat, sub_idx_flat):
    rows = tag_idx_flat.shape[0]
    dt = tag_tab_flat.dtype
    per_w = rows // NW
    n_chunks = per_w // CHUNK

    grp = 4
    n_grp = n_chunks // grp

    def body(tag_tab, sub_tab, tag_idx, sub_idx, tag_out, sub_out,
             idx_t, idx_s, rows_t, rows_s,
             sem_it, sem_is, sem_gt, sem_gs, sem_st, sem_ss):
        wid = lax.axis_index("s") * NC + lax.axis_index("c")
        base = wid * per_w

        def drain_tag(b):
            pltpu.make_async_copy(
                rows_t.at[b], tag_out.at[pl.ds(base, CHUNK)], sem_st.at[b]).wait()

        def drain_sub(b):
            pltpu.make_async_copy(
                rows_s.at[b], sub_out.at[pl.ds(base, CHUNK)], sem_ss.at[b]).wait()

        def group(g, carry):
            goff = base + g * grp * CHUNK
            it, isx = [], []
            for b in range(grp):
                off = goff + b * CHUNK
                it.append(pltpu.async_copy(
                    tag_idx.at[pl.ds(off, CHUNK)], idx_t.at[b], sem_it.at[b]))
                isx.append(pltpu.async_copy(
                    sub_idx.at[pl.ds(off, CHUNK)], idx_s.at[b], sem_is.at[b]))
            gt, gs = [], []
            for b in range(grp):
                it[b].wait()
                pl.when(g > 0)(lambda b=b: drain_tag(b))
                gt.append(pltpu.async_copy(
                    tag_tab.at[idx_t.at[b]], rows_t.at[b], sem_gt.at[b]))
                isx[b].wait()
                pl.when(g > 0)(lambda b=b: drain_sub(b))
                gs.append(pltpu.async_copy(
                    sub_tab.at[idx_s.at[b]], rows_s.at[b], sem_gs.at[b]))
            for b in range(grp):
                off = goff + b * CHUNK
                gt[b].wait()
                pltpu.async_copy(
                    rows_t.at[b], tag_out.at[pl.ds(off, CHUNK)], sem_st.at[b])
                gs[b].wait()
                pltpu.async_copy(
                    rows_s.at[b], sub_out.at[pl.ds(off, CHUNK)], sem_ss.at[b])
            return carry

        lax.fori_loop(0, n_grp, group, 0)
        for b in range(grp):
            drain_tag(b)
            drain_sub(b)

    mesh = plsc.VectorSubcoreMesh(core_axis_name="c", subcore_axis_name="s")
    return pl.kernel(
        body,
        out_type=(jax.ShapeDtypeStruct((rows, PU), dt),
                  jax.ShapeDtypeStruct((rows, PU), dt)),
        mesh=mesh,
        scratch_types=[
            pltpu.VMEM((grp, CHUNK), jnp.int32),
            pltpu.VMEM((grp, CHUNK), jnp.int32),
            pltpu.VMEM((grp, CHUNK, PU), dt),
            pltpu.VMEM((grp, CHUNK, PU), dt),
            pltpu.SemaphoreType.DMA((grp,)),
            pltpu.SemaphoreType.DMA((grp,)),
            pltpu.SemaphoreType.DMA((grp,)),
            pltpu.SemaphoreType.DMA((grp,)),
            pltpu.SemaphoreType.DMA((grp,)),
            pltpu.SemaphoreType.DMA((grp,)),
        ],
        compiler_params=pltpu.CompilerParams(use_tc_tiling_on_sc=False),
    )(tag_tab_flat, sub_tab_flat, tag_idx_flat, sub_idx_flat)


TB = 512


def _tc_body(tag_ref, sub_ref, x_ref, pos_ref, wi_ref, bi_ref, wo_ref, bo_ref,
             g_ref, b_ref, o_ref):
    path = (tag_ref[...] + sub_ref[...]).astype(jnp.bfloat16)
    h1 = jnp.dot(path, wi_ref[...], preferred_element_type=jnp.float32)
    h1 = jnp.maximum(h1 + bi_ref[...], 0.0).astype(jnp.bfloat16)
    pe = jnp.dot(h1, wo_ref[...], preferred_element_type=jnp.float32)
    emb = x_ref[...] + pos_ref[...] + (pe + bo_ref[...])
    mean = jnp.mean(emb, axis=-1, keepdims=True)
    cent = emb - mean
    var = jnp.mean(cent * cent, axis=-1, keepdims=True)
    o_ref[...] = cent * lax.rsqrt(var + EPS) * g_ref[...] + b_ref[...]


def _tc_fused(tag2d, sub2d, x2d, pos, wi, bi, wo, bo, gamma, beta):
    grid = (S // TB, B)
    dp = MAX_DEPTH * PU
    tok = lambda s, b: (b * (S // TB) + s, 0)
    return pl.pallas_call(
        _tc_body,
        grid=grid,
        in_specs=[
            pl.BlockSpec((TB, dp), tok),
            pl.BlockSpec((TB, dp), tok),
            pl.BlockSpec((TB, H), tok),
            pl.BlockSpec((TB, H), lambda s, b: (s, 0)),
            pl.BlockSpec((dp, 4 * H), lambda s, b: (0, 0)),
            pl.BlockSpec((1, 4 * H), lambda s, b: (0, 0)),
            pl.BlockSpec((4 * H, H), lambda s, b: (0, 0)),
            pl.BlockSpec((1, H), lambda s, b: (0, 0)),
            pl.BlockSpec((1, H), lambda s, b: (0, 0)),
            pl.BlockSpec((1, H), lambda s, b: (0, 0)),
        ],
        out_specs=pl.BlockSpec((TB, H), tok),
        out_shape=jax.ShapeDtypeStruct((N, H), jnp.float32),
        compiler_params=pltpu.CompilerParams(
            dimension_semantics=("arbitrary", "arbitrary")),
    )(tag2d, sub2d, x2d, pos, wi, bi, wo, bo, gamma, beta)


def kernel(inputs_embeds, path_tags_seq, path_subs_seq, tag_tables,
           subs_tables, W_inner, b_inner, W_out, b_out, pos_emb, ln_gamma,
           ln_beta):
    seq_len = inputs_embeds.shape[1]
    depths = jnp.arange(MAX_DEPTH, dtype=jnp.int32)
    tag_idx = (path_tags_seq + depths * TAG_V).reshape(R)
    sub_idx = (path_subs_seq + depths * SUB_V).reshape(R)
    tag_flat = tag_tables.reshape(MAX_DEPTH * TAG_V, PU)
    sub_flat = subs_tables.reshape(MAX_DEPTH * SUB_V, PU)

    x2d = inputs_embeds.reshape(N, H)
    pos = pos_emb[:seq_len]
    wi = W_inner.astype(jnp.bfloat16)
    bi = b_inner.reshape(1, 4 * H)
    wo = W_out.astype(jnp.bfloat16)
    bo = b_out.reshape(1, H)
    g = ln_gamma.reshape(1, H)
    bt = ln_beta.reshape(1, H)

    tag_cat, sub_cat = _sc_gather(tag_flat, sub_flat, tag_idx, sub_idx)
    out = _tc_fused(
        tag_cat.reshape(N, MAX_DEPTH * PU),
        sub_cat.reshape(N, MAX_DEPTH * PU),
        x2d, pos, wi, bi, wo, bo, g, bt)
    return out.reshape(B, S, H)

# --- scband reference (transcript-rebuilt; emitter-appended) ---
"""Pipeline reference for scband-paper-lmembeddings-61598420959444 (READ-ONLY COPY).

The authoritative reference and input builder live on the scoring server;
editing this copy changes nothing except your own understanding.
"""

import jax, jax.numpy as jnp
import numpy as np

B, S, H = 4, 2048, 1024
MAX_DEPTH = 16
PU = 64
TAG_V = 256
SUB_V = 1024
POS = 2048
EPS = 1e-12


def setup_inputs(seed: int = 0) -> dict:
    key = jax.random.key(seed)
    ks = jax.random.split(key, 12)
    inputs_embeds = jax.random.normal(ks[0], (B, S, H), dtype=jnp.float32)
    path_tags_seq = jax.random.randint(ks[1], (B, S, MAX_DEPTH), 0, TAG_V, dtype=jnp.int32)
    path_subs_seq = jax.random.randint(ks[2], (B, S, MAX_DEPTH), 0, SUB_V, dtype=jnp.int32)
    tag_tables = jax.random.normal(ks[3], (MAX_DEPTH, TAG_V, PU), dtype=jnp.float32) * 0.02
    subs_tables = jax.random.normal(ks[4], (MAX_DEPTH, SUB_V, PU), dtype=jnp.float32) * 0.02
    W_inner = jax.random.normal(ks[5], (MAX_DEPTH * PU, 4 * H), dtype=jnp.float32) * 0.02
    b_inner = jnp.zeros((4 * H,), dtype=jnp.float32)
    W_out = jax.random.normal(ks[6], (4 * H, H), dtype=jnp.float32) * 0.02
    b_out = jnp.zeros((H,), dtype=jnp.float32)
    pos_emb = jax.random.normal(ks[7], (POS, H), dtype=jnp.float32) * 0.02
    ln_gamma = jnp.ones((H,), dtype=jnp.float32)
    ln_beta = jnp.zeros((H,), dtype=jnp.float32)
    return {
        'inputs_embeds': inputs_embeds,
        'path_tags_seq': path_tags_seq,
        'path_subs_seq': path_subs_seq,
        'tag_tables': tag_tables,
        'subs_tables': subs_tables,
        'W_inner': W_inner,
        'b_inner': b_inner,
        'W_out': W_out,
        'b_out': b_out,
        'pos_emb': pos_emb,
        'ln_gamma': ln_gamma,
        'ln_beta': ln_beta,
    }


def reference(inputs_embeds, path_tags_seq, path_subs_seq, tag_tables, subs_tables,
              W_inner, b_inner, W_out, b_out, pos_emb, ln_gamma, ln_beta):
    seq_len = inputs_embeds.shape[1]
    # per-depth embedding lookups, then concat along feature dim
    tag_embs = [jnp.take(tag_tables[i], path_tags_seq[:, :, i], axis=0) for i in range(MAX_DEPTH)]
    sub_embs = [jnp.take(subs_tables[i], path_subs_seq[:, :, i], axis=0) for i in range(MAX_DEPTH)]
    tag_cat = jnp.concatenate(tag_embs, axis=-1)
    sub_cat = jnp.concatenate(sub_embs, axis=-1)
    path = tag_cat + sub_cat
    inner = jax.nn.relu(path @ W_inner + b_inner)
    path_embeddings = inner @ W_out + b_out
    position_embeddings = pos_emb[:seq_len][None, :, :]
    embeddings = inputs_embeds + position_embeddings + path_embeddings
    # LayerNorm (eps=1e-12), dropout is identity in eval mode
    mean = jnp.mean(embeddings, axis=-1, keepdims=True)
    var = jnp.mean(jnp.square(embeddings - mean), axis=-1, keepdims=True)
    normed = (embeddings - mean) / jnp.sqrt(var + EPS)
    out = normed * ln_gamma + ln_beta
    return out


if False:  # reference __main__ guard neutralized (emitter)
    inp = setup_inputs()
    out = reference(**inp)
    print(out.shape, out.dtype)

if __name__ == "__main__":
    import jax
    _d = setup_inputs()
    print(jax.jit(kernel)(*tuple(_d.values())))

</pallas_src>

<mosaic_0001>
#map = affine_map<(d0, d1) -> (0, 0)>
#map1 = affine_map<(d0, d1) -> (0)>
module attributes {stable_mosaic.version = 14 : i64} {
  func.func @body(%arg0: i32, %arg1: i32, %arg2: memref<4096x64xf32, #tpu.memory_space<hbm>>, %arg3: memref<16384x64xf32, #tpu.memory_space<hbm>>, %arg4: memref<131072xi32, #tpu.memory_space<hbm>>, %arg5: memref<131072xi32, #tpu.memory_space<hbm>>, %arg6: memref<131072x64xf32, #tpu.memory_space<hbm>>, %arg7: memref<131072x64xf32, #tpu.memory_space<hbm>>, %arg8: memref<4x128xi32, #tpu.memory_space<vmem>>, %arg9: memref<4x128xi32, #tpu.memory_space<vmem>>, %arg10: memref<4x128x64xf32, #tpu.memory_space<vmem>>, %arg11: memref<4x128x64xf32, #tpu.memory_space<vmem>>, %arg12: memref<4x!tpu.dma_semaphore, #tpu.memory_space<semaphore_mem>>, %arg13: memref<4x!tpu.dma_semaphore, #tpu.memory_space<semaphore_mem>>, %arg14: memref<4x!tpu.dma_semaphore, #tpu.memory_space<semaphore_mem>>, %arg15: memref<4x!tpu.dma_semaphore, #tpu.memory_space<semaphore_mem>>, %arg16: memref<4x!tpu.dma_semaphore, #tpu.memory_space<semaphore_mem>>, %arg17: memref<4x!tpu.dma_semaphore, #tpu.memory_space<semaphore_mem>>) attributes {dimension_semantics = [#tpu.dimension_semantics<core_parallel>, #tpu.dimension_semantics<subcore_parallel>], iteration_bounds = array<i64: 2, 16>, scalar_prefetch = 0 : i64, scratch_operands = 10 : i64, tpu.core_type = #tpu.core_type<sc_vector_subcore>, window_params = [{transform_indices = #map}, {transform_indices = #map}, {transform_indices = #map1}, {transform_indices = #map1}, {transform_indices = #map}, {transform_indices = #map}]} {
    %mul3A = arith.constant 2 : i32
    %mul3A_0 = arith.muli %arg1, %mul3A : i32
    %add3A = arith.addi %mul3A_0, %arg0 : i32
    %mul3A_1 = arith.constant 4096 : i32
    %mul3A_2 = arith.muli %add3A, %mul3A_1 : i32
    %scan3A = arith.constant 0 : i32
    %scan3A_3 = arith.constant 0 : i32
    %scan3A_4 = arith.constant 8 : i32
    %scan3A_5 = arith.addi %scan3A_3, %scan3A_4 : i32
    %scan3A_6 = arith.constant 1 : i32
    scf.for %scan3A_135 = %scan3A_3 to %scan3A_5 step %scan3A_6  : i32 {
      %mul3A_136 = arith.constant 4 : i32
      %mul3A_137 = arith.muli %scan3A_135, %mul3A_136 : i32
      %mul3A_138 = arith.constant 128 : i32
      %mul3A_139 = arith.muli %mul3A_137, %mul3A_138 : i32
      %add3A_140 = arith.addi %mul3A_2, %mul3A_139 : i32
      %add3A_141 = arith.constant 0 : i32
      %add3A_142 = arith.addi %add3A_140, %add3A_141 : i32
      %dma_start3A = arith.constant 0 : i32
      %dma_start3A_143 = arith.constant 0 : i32
      %dma_start3A_144 = arith.constant 0 : i32
      %dma_start3A_145 = tpu.memref_slice %arg8[%dma_start3A, %dma_start3A_144] : memref<4x128xi32, #tpu.memory_space<vmem>> -> memref<1x128xi32, #tpu.memory_space<vmem>>
      %dma_start3A_146 = tpu.memref_squeeze %dma_start3A_145 : memref<1x128xi32, #tpu.memory_space<vmem>> -> memref<128xi32, #tpu.memory_space<vmem>>
      %dma_start3A_147 = tpu.memref_slice %arg4[%add3A_142] : memref<131072xi32, #tpu.memory_space<hbm>> -> memref<128xi32, #tpu.memory_space<hbm>>
      %dma_start3A_148 = tpu.memref_slice %arg12[%dma_start3A_143] : memref<4x!tpu.dma_semaphore, #tpu.memory_space<semaphore_mem>> -> memref<1x!tpu.dma_semaphore, #tpu.memory_space<semaphore_mem>>
      %dma_start3A_149 = tpu.memref_squeeze %dma_start3A_148 : memref<1x!tpu.dma_semaphore, #tpu.memory_space<semaphore_mem>> -> memref<!tpu.dma_semaphore, #tpu.memory_space<semaphore_mem>>
      %dma_start3A_150 = arith.constant 0 : i32
      %dma_start3A_151 = tpu.memref_slice %arg8[%dma_start3A, %dma_start3A_150] : memref<4x128xi32, #tpu.memory_space<vmem>> -> memref<1x128xi32, #tpu.memory_space<vmem>>
      %dma_start3A_152 = tpu.memref_squeeze %dma_start3A_151 : memref<1x128xi32, #tpu.memory_space<vmem>> -> memref<128xi32, #tpu.memory_space<vmem>>
      %dma_start3A_153 = tpu.memref_slice %arg4[%add3A_142] : memref<131072xi32, #tpu.memory_space<hbm>> -> memref<128xi32, #tpu.memory_space<hbm>>
      tpu.enqueue_dma source(%dma_start3A_153 : memref<128xi32, #tpu.memory_space<hbm>>) target(%dma_start3A_152 : memref<128xi32, #tpu.memory_space<vmem>>) target_semaphore(%dma_start3A_149 : memref<!tpu.dma_semaphore, #tpu.memory_space<semaphore_mem>>)
      %dma_start3A_154 = arith.constant 0 : i32
      %dma_start3A_155 = arith.constant 0 : i32
      %dma_start3A_156 = arith.constant 0 : i32
      %dma_start3A_157 = tpu.memref_slice %arg9[%dma_start3A_154, %dma_start3A_156] : memref<4x128xi32, #tpu.memory_space<vmem>> -> memref<1x128xi32, #tpu.memory_space<vmem>>
      %dma_start3A_158 = tpu.memref_squeeze %dma_start3A_157 : memref<1x128xi32, #tpu.memory_space<vmem>> -> memref<128xi32, #tpu.memory_space<vmem>>
      %dma_start3A_159 = tpu.memref_slice %arg5[%add3A_142] : memref<131072xi32, #tpu.memory_space<hbm>> -> memref<128xi32, #tpu.memory_space<hbm>>
      %dma_start3A_160 = tpu.memref_slice %arg13[%dma_start3A_155] : memref<4x!tpu.dma_semaphore, #tpu.memory_space<semaphore_mem>> -> memref<1x!tpu.dma_semaphore, #tpu.memory_space<semaphore_mem>>
      %dma_start3A_161 = tpu.memref_squeeze %dma_start3A_160 : memref<1x!tpu.dma_semaphore, #tpu.memory_space<semaphore_mem>> -> memref<!tpu.dma_semaphore, #tpu.memory_space<semaphore_mem>>
      %dma_start3A_162 = arith.constant 0 : i32
      %dma_start3A_163 = tpu.memref_slice %arg9[%dma_start3A_154, %dma_start3A_162] : memref<4x128xi32, #tpu.memory_space<vmem>> -> memref<1x128xi32, #tpu.memory_space<vmem>>
      %dma_start3A_164 = tpu.memref_squeeze %dma_start3A_163 : memref<1x128xi32, #tpu.memory_space<vmem>> -> memref<128xi32, #tpu.memory_space<vmem>>
      %dma_start3A_165 = tpu.memref_slice %arg5[%add3A_142] : memref<131072xi32, #tpu.memory_space<hbm>> -> memref<128xi32, #tpu.memory_space<hbm>>
      tpu.enqueue_dma source(%dma_start3A_165 : memref<128xi32, #tpu.memory_space<hbm>>) target(%dma_start3A_164 : memref<128xi32, #tpu.memory_space<vmem>>) target_semaphore(%dma_start3A_161 : memref<!tpu.dma_semaphore, #tpu.memory_space<semaphore_mem>>)
      %add3A_166 = arith.constant 128 : i32
      %add3A_167 = arith.addi %add3A_140, %add3A_166 : i32
      %dma_start3A_168 = arith.constant 1 : i32
      %dma_start3A_169 = arith.constant 1 : i32
      %dma_start3A_170 = arith.constant 0 : i32
      %dma_start3A_171 = tpu.memref_slice %arg8[%dma_start3A_168, %dma_start3A_170] : memref<4x128xi32, #tpu.memory_space<vmem>> -> memref<1x128xi32, #tpu.memory_space<vmem>>
      %dma_start3A_172 = tpu.memref_squeeze %dma_start3A_171 : memref<1x128xi32, #tpu.memory_space<vmem>> -> memref<128xi32, #tpu.memory_space<vmem>>
      %dma_start3A_173 = tpu.memref_slice %arg4[%add3A_167] : memref<131072xi32, #tpu.memory_space<hbm>> -> memref<128xi32, #tpu.memory_space<hbm>>
      %dma_start3A_174 = tpu.memref_slice %arg12[%dma_start3A_169] : memref<4x!tpu.dma_semaphore, #tpu.memory_space<semaphore_mem>> -> memref<1x!tpu.dma_semaphore, #tpu.memory_space<semaphore_mem>>
      %dma_start3A_175 = tpu.memref_squeeze %dma_start3A_174 : memref<1x!tpu.dma_semaphore, #tpu.memory_space<semaphore_mem>> -> memref<!tpu.dma_semaphore, #tpu.memory_space<semaphore_mem>>
      %dma_start3A_176 = arith.constant 0 : i32
      %dma_start3A_177 = tpu.memref_slice %arg8[%dma_start3A_168, %dma_start3A_176] : memref<4x128xi32, #tpu.memory_space<vmem>> -> memref<1x128xi32, #tpu.memory_space<vmem>>
      %dma_start3A_178 = tpu.memref_squeeze %dma_start3A_177 : memref<1x128xi32, #tpu.memory_space<vmem>> -> memref<128xi32, #tpu.memory_space<vmem>>
      %dma_start3A_179 = tpu.memref_slice %arg4[%add3A_167] : memref<131072xi32, #tpu.memory_space<hbm>> -> memref<128xi32, #tpu.memory_space<hbm>>
      tpu.enqueue_dma source(%dma_start3A_179 : memref<128xi32, #tpu.memory_space<hbm>>) target(%dma_start3A_178 : memref<128xi32, #tpu.memory_space<vmem>>) target_semaphore(%dma_start3A_175 : memref<!tpu.dma_semaphore, #tpu.memory_space<semaphore_mem>>)
      %dma_start3A_180 = arith.constant 1 : i32
      %dma_start3A_181 = arith.constant 1 : i32
      %dma_start3A_182 = arith.constant 0 : i32
      %dma_start3A_183 = tpu.memref_slice %arg9[%dma_start3A_180, %dma_start3A_182] : memref<4x128xi32, #tpu.memory_space<vmem>> -> memref<1x128xi32, #tpu.memory_space<vmem>>
      %dma_start3A_184 = tpu.memref_squeeze %dma_start3A_183 : memref<1x128xi32, #tpu.memory_space<vmem>> -> memref<128xi32, #tpu.memory_space<vmem>>
      %dma_start3A_185 = tpu.memref_slice %arg5[%add3A_167] : memref<131072xi32, #tpu.memory_space<hbm>> -> memref<128xi32, #tpu.memory_space<hbm>>
      %dma_start3A_186 = tpu.memref_slice %arg13[%dma_start3A_181] : memref<4x!tpu.dma_semaphore, #tpu.memory_space<semaphore_mem>> -> memref<1x!tpu.dma_semaphore, #tpu.memory_space<semaphore_mem>>
      %dma_start3A_187 = tpu.memref_squeeze %dma_start3A_186 : memref<1x!tpu.dma_semaphore, #tpu.memory_space<semaphore_mem>> -> memref<!tpu.dma_semaphore, #tpu.memory_space<semaphore_mem>>
      %dma_start3A_188 = arith.constant 0 : i32
      %dma_start3A_189 = tpu.memref_slice %arg9[%dma_start3A_180, %dma_start3A_188] : memref<4x128xi32, #tpu.memory_space<vmem>> -> memref<1x128xi32, #tpu.memory_space<vmem>>
      %dma_start3A_190 = tpu.memref_squeeze %dma_start3A_189 : memref<1x128xi32, #tpu.memory_space<vmem>> -> memref<128xi32, #tpu.memory_space<vmem>>
      %dma_start3A_191 = tpu.memref_slice %arg5[%add3A_167] : memref<131072xi32, #tpu.memory_space<hbm>> -> memref<128xi32, #tpu.memory_space<hbm>>
      tpu.enqueue_dma source(%dma_start3A_191 : memref<128xi32, #tpu.memory_space<hbm>>) target(%dma_start3A_190 : memref<128xi32, #tpu.memory_space<vmem>>) target_semaphore(%dma_start3A_187 : memref<!tpu.dma_semaphore, #tpu.memory_space<semaphore_mem>>)
      %add3A_192 = arith.constant 256 : i32
      %add3A_193 = arith.addi %add3A_140, %add3A_192 : i32
      %dma_start3A_194 = arith.constant 2 : i32
      %dma_start3A_195 = arith.constant 2 : i32
      %dma_start3A_196 = arith.constant 0 : i32
      %dma_start3A_197 = tpu.memref_slice %arg8[%dma_start3A_194, %dma_start3A_196] : memref<4x128xi32, #tpu.memory_space<vmem>> -> memref<1x128xi32, #tpu.memory_space<vmem>>
      %dma_start3A_198 = tpu.memref_squeeze %dma_start3A_197 : memref<1x128xi32, #tpu.memory_space<vmem>> -> memref<128xi32, #tpu.memory_space<vmem>>
      %dma_start3A_199 = tpu.memref_slice %arg4[%add3A_193] : memref<131072xi32, #tpu.memory_space<hbm>> -> memref<128xi32, #tpu.memory_space<hbm>>
      %dma_start3A_200 = tpu.memref_slice %arg12[%dma_start3A_195] : memref<4x!tpu.dma_semaphore, #tpu.memory_space<semaphore_mem>> -> memref<1x!tpu.dma_semaphore, #tpu.memory_space<semaphore_mem>>
      %dma_start3A_201 = tpu.memref_squeeze %dma_start3A_200 : memref<1x!tpu.dma_semaphore, #tpu.memory_space<semaphore_mem>> -> memref<!tpu.dma_semaphore, #tpu.memory_space<semaphore_mem>>
      %dma_start3A_202 = arith.constant 0 : i32
      %dma_start3A_203 = tpu.memref_slice %arg8[%dma_start3A_194, %dma_start3A_202] : memref<4x128xi32, #tpu.memory_space<vmem>> -> memref<1x128xi32, #tpu.memory_space<vmem>>
      %dma_start3A_204 = tpu.memref_squeeze %dma_start3A_203 : memref<1x128xi32, #tpu.memory_space<vmem>> -> memref<128xi32, #tpu.memory_space<vmem>>
      %dma_start3A_205 = tpu.memref_slice %arg4[%add3A_193] : memref<131072xi32, #tpu.memory_space<hbm>> -> memref<128xi32, #tpu.memory_space<hbm>>
      tpu.enqueue_dma source(%dma_start3A_205 : memref<128xi32, #tpu.memory_space<hbm>>) target(%dma_start3A_204 : memref<128xi32, #tpu.memory_space<vmem>>) target_semaphore(%dma_start3A_201 : memref<!tpu.dma_semaphore, #tpu.memory_space<semaphore_mem>>)
      %dma_start3A_206 = arith.constant 2 : i32
      %dma_start3A_207 = arith.constant 2 : i32
      %dma_start3A_208 = arith.constant 0 : i32
      %dma_start3A_209 = tpu.memref_slice %arg9[%dma_start3A_206, %dma_start3A_208] : memref<4x128xi32, #tpu.memory_space<vmem>> -> memref<1x128xi32, #tpu.memory_space<vmem>>
      %dma_start3A_210 = tpu.memref_squeeze %dma_start3A_209 : memref<1x128xi32, #tpu.memory_space<vmem>> -> memref<128xi32, #tpu.memory_space<vmem>>
      %dma_start3A_211 = tpu.memref_slice %arg5[%add3A_193] : memref<131072xi32, #tpu.memory_space<hbm>> -> memref<128xi32, #tpu.memory_space<hbm>>
      %dma_start3A_212 = tpu.memref_slice %arg13[%dma_start3A_207] : memref<4x!tpu.dma_semaphore, #tpu.memory_space<semaphore_mem>> -> memref<1x!tpu.dma_semaphore, #tpu.memory_space<semaphore_mem>>
      %dma_start3A_213 = tpu.memref_squeeze %dma_start3A_212 : memref<1x!tpu.dma_semaphore, #tpu.memory_space<semaphore_mem>> -> memref<!tpu.dma_semaphore, #tpu.memory_space<semaphore_mem>>
      %dma_start3A_214 = arith.constant 0 : i32
      %dma_start3A_215 = tpu.memref_slice %arg9[%dma_start3A_206, %dma_start3A_214] : memref<4x128xi32, #tpu.memory_space<vmem>> -> memref<1x128xi32, #tpu.memory_space<vmem>>
      %dma_start3A_216 = tpu.memref_squeeze %dma_start3A_215 : memref<1x128xi32, #tpu.memory_space<vmem>> -> memref<128xi32, #tpu.memory_space<vmem>>
      %dma_start3A_217 = tpu.memref_slice %arg5[%add3A_193] : memref<131072xi32, #tpu.memory_space<hbm>> -> memref<128xi32, #tpu.memory_space<hbm>>
      tpu.enqueue_dma source(%dma_start3A_217 : memref<128xi32, #tpu.memory_space<hbm>>) target(%dma_start3A_216 : memref<128xi32, #tpu.memory_space<vmem>>) target_semaphore(%dma_start3A_213 : memref<!tpu.dma_semaphore, #tpu.memory_space<semaphore_mem>>)
      %add3A_218 = arith.constant 384 : i32
      %add3A_219 = arith.addi %add3A_140, %add3A_218 : i32
      %dma_start3A_220 = arith.constant 3 : i32
      %dma_start3A_221 = arith.constant 3 : i32
      %dma_start3A_222 = arith.constant 0 : i32
      %dma_start3A_223 = tpu.memref_slice %arg8[%dma_start3A_220, %dma_start3A_222] : memref<4x128xi32, #tpu.memory_space<vmem>> -> memref<1x128xi32, #tpu.memory_space<vmem>>
      %dma_start3A_224 = tpu.memref_squeeze %dma_start3A_223 : memref<1x128xi32, #tpu.memory_space<vmem>> -> memref<128xi32, #tpu.memory_space<vmem>>
      %dma_start3A_225 = tpu.memref_slice %arg4[%add3A_219] : memref<131072xi32, #tpu.memory_space<hbm>> -> memref<128xi32, #tpu.memory_space<hbm>>
      %dma_start3A_226 = tpu.memref_slice %arg12[%dma_start3A_221] : memref<4x!tpu.dma_semaphore, #tpu.memory_space<semaphore_mem>> -> memref<1x!tpu.dma_semaphore, #tpu.memory_space<semaphore_mem>>
      %dma_start3A_227 = tpu.memref_squeeze %dma_start3A_226 : memref<1x!tpu.dma_semaphore, #tpu.memory_space<semaphore_mem>> -> memref<!tpu.dma_semaphore, #tpu.memory_space<semaphore_mem>>
      %dma_start3A_228 = arith.constant 0 : i32
      %dma_start3A_229 = tpu.memref_slice %arg8[%dma_start3A_220, %dma_start3A_228] : memref<4x128xi32, #tpu.memory_space<vmem>> -> memref<1x128xi32, #tpu.memory_space<vmem>>
      %dma_start3A_230 = tpu.memref_squeeze %dma_start3A_229 : memref<1x128xi32, #tpu.memory_space<vmem>> -> memref<128xi32, #tpu.memory_space<vmem>>
      %dma_start3A_231 = tpu.memref_slice %arg4[%add3A_219] : memref<131072xi32, #tpu.memory_space<hbm>> -> memref<128xi32, #tpu.memory_space<hbm>>
      tpu.enqueue_dma source(%dma_start3A_231 : memref<128xi32, #tpu.memory_space<hbm>>) target(%dma_start3A_230 : memref<128xi32, #tpu.memory_space<vmem>>) target_semaphore(%dma_start3A_227 : memref<!tpu.dma_semaphore, #tpu.memory_space<semaphore_mem>>)
      %dma_start3A_232 = arith.constant 3 : i32
      %dma_start3A_233 = arith.constant 3 : i32
      %dma_start3A_234 = arith.constant 0 : i32
      %dma_start3A_235 = tpu.memref_slice %arg9[%dma_start3A_232, %dma_start3A_234] : memref<4x128xi32, #tpu.memory_space<vmem>> -> memref<1x128xi32, #tpu.memory_space<vmem>>
      %dma_start3A_236 = tpu.memref_squeeze %dma_start3A_235 : memref<1x128xi32, #tpu.memory_space<vmem>> -> memref<128xi32, #tpu.memory_space<vmem>>
      %dma_start3A_237 = tpu.memref_slice %arg5[%add3A_219] : memref<131072xi32, #tpu.memory_space<hbm>> -> memref<128xi32, #tpu.memory_space<hbm>>
      %dma_start3A_238 = tpu.memref_slice %arg13[%dma_start3A_233] : memref<4x!tpu.dma_semaphore, #tpu.memory_space<semaphore_mem>> -> memref<1x!tpu.dma_semaphore, #tpu.memory_space<semaphore_mem>>
      %dma_start3A_239 = tpu.memref_squeeze %dma_start3A_238 : memref<1x!tpu.dma_semaphore, #tpu.memory_space<semaphore_mem>> -> memref<!tpu.dma_semaphore, #tpu.memory_space<semaphore_mem>>
      %dma_start3A_240 = arith.constant 0 : i32
      %dma_start3A_241 = tpu.memref_slice %arg9[%dma_start3A_232, %dma_start3A_240] : memref<4x128xi32, #tpu.memory_space<vmem>> -> memref<1x128xi32, #tpu.memory_space<vmem>>
      %dma_start3A_242 = tpu.memref_squeeze %dma_start3A_241 : memref<1x128xi32, #tpu.memory_space<vmem>> -> memref<128xi32, #tpu.memory_space<vmem>>
      %dma_start3A_243 = tpu.memref_slice %arg5[%add3A_219] : memref<131072xi32, #tpu.memory_space<hbm>> -> memref<128xi32, #tpu.memory_space<hbm>>
      tpu.enqueue_dma source(%dma_start3A_243 : memref<128xi32, #tpu.memory_space<hbm>>) target(%dma_start3A_242 : memref<128xi32, #tpu.memory_space<vmem>>) target_semaphore(%dma_start3A_239 : memref<!tpu.dma_semaphore, #tpu.memory_space<semaphore_mem>>)
      %dma_wait3A_244 = arith.constant 0 : i32
      %dma_wait3A_245 = arith.constant 0 : i32
      %dma_wait3A_246 = arith.constant 0 : i32
      %dma_wait3A_247 = tpu.memref_slice %arg8[%dma_wait3A_244, %dma_wait3A_246] : memref<4x128xi32, #tpu.memory_space<vmem>> -> memref<1x128xi32, #tpu.memory_space<vmem>>
      %dma_wait3A_248 = tpu.memref_squeeze %dma_wait3A_247 : memref<1x128xi32, #tpu.memory_space<vmem>> -> memref<128xi32, #tpu.memory_space<vmem>>
      %dma_wait3A_249 = tpu.memref_slice %arg4[%add3A_142] : memref<131072xi32, #tpu.memory_space<hbm>> -> memref<128xi32, #tpu.memory_space<hbm>>
      %dma_wait3A_250 = tpu.memref_slice %arg12[%dma_wait3A_245] : memref<4x!tpu.dma_semaphore, #tpu.memory_space<semaphore_mem>> -> memref<1x!tpu.dma_semaphore, #tpu.memory_space<semaphore_mem>>
      %dma_wait3A_251 = tpu.memref_squeeze %dma_wait3A_250 : memref<1x!tpu.dma_semaphore, #tpu.memory_space<semaphore_mem>> -> memref<!tpu.dma_semaphore, #tpu.memory_space<semaphore_mem>>
      %dma_wait3A_252 = arith.constant 0 : i32
      %dma_wait3A_253 = tpu.memref_slice %arg8[%dma_wait3A_244, %dma_wait3A_252] : memref<4x128xi32, #tpu.memory_space<vmem>> -> memref<1x128xi32, #tpu.memory_space<vmem>>
      %dma_wait3A_254 = tpu.memref_squeeze %dma_wait3A_253 : memref<1x128xi32, #tpu.memory_space<vmem>> -> memref<128xi32, #tpu.memory_space<vmem>>
      %dma_wait3A_255 = tpu.memref_slice %arg4[%add3A_142] : memref<131072xi32, #tpu.memory_space<hbm>> -> memref<128xi32, #tpu.memory_space<hbm>>
      tpu.wait_dma2 semaphore(%dma_wait3A_251 : memref<!tpu.dma_semaphore, #tpu.memory_space<semaphore_mem>>) src(%dma_wait3A_255 : memref<128xi32, #tpu.memory_space<hbm>>) dst(%dma_wait3A_254 : memref<128xi32, #tpu.memory_space<vmem>>)
      %gt3A = arith.constant 0 : i32
      %gt3A_256 = arith.cmpi sgt, %scan3A_135, %gt3A : i32
      %convert_element_type3A = arith.extui %gt3A_256 : i1 to i32
      %cond3A = arith.constant 0 : i32
      %cond3A_257 = arith.cmpi ne, %convert_element_type3A, %cond3A : i32
      scf.if %cond3A_257 {
        %dma_wait3A_753 = arith.constant 0 : i32
        %dma_wait3A_754 = arith.constant 0 : i32
        %dma_wait3A_755 = arith.constant 0 : i32
        %dma_wait3A_756 = arith.constant 0 : i32
        %dma_wait3A_757 = tpu.memref_slice %arg10[%dma_wait3A_753, %dma_wait3A_755, %dma_wait3A_756] : memref<4x128x64xf32, #tpu.memory_space<vmem>> -> memref<1x128x64xf32, #tpu.memory_space<vmem>>
        %dma_wait3A_758 = tpu.memref_squeeze %dma_wait3A_757 : memref<1x128x64xf32, #tpu.memory_space<vmem>> -> memref<128x64xf32, #tpu.memory_space<vmem>>
        %dma_wait3A_759 = arith.constant 0 : i32
        %dma_wait3A_760 = tpu.memref_slice %arg6[%mul3A_2, %dma_wait3A_759] : memref<131072x64xf32, #tpu.memory_space<hbm>> -> memref<128x64xf32, #tpu.memory_space<hbm>>
        %dma_wait3A_761 = tpu.memref_slice %arg16[%dma_wait3A_754] : memref<4x!tpu.dma_semaphore, #tpu.memory_space<semaphore_mem>> -> memref<1x!tpu.dma_semaphore, #tpu.memory_space<semaphore_mem>>
        %dma_wait3A_762 = tpu.memref_squeeze %dma_wait3A_761 : memref<1x!tpu.dma_semaphore, #tpu.memory_space<semaphore_mem>> -> memref<!tpu.dma_semaphore, #tpu.memory_space<semaphore_mem>>
        %dma_wait3A_763 = arith.constant 0 : i32
        %dma_wait3A_764 = tpu.memref_slice %arg6[%mul3A_2, %dma_wait3A_763] : memref<131072x64xf32, #tpu.memory_space<hbm>> -> memref<128x64xf32, #tpu.memory_space<hbm>>
        %dma_wait3A_765 = arith.constant 0 : i32
        %dma_wait3A_766 = arith.constant 0 : i32
        %dma_wait3A_767 = tpu.memref_slice %arg10[%dma_wait3A_753, %dma_wait3A_765, %dma_wait3A_766] : memref<4x128x64xf32, #tpu.memory_space<vmem>> -> memref<1x128x64xf32, #tpu.memory_space<vmem>>
        %dma_wait3A_768 = tpu.memref_squeeze %dma_wait3A_767 : memref<1x128x64xf32, #tpu.memory_space<vmem>> -> memref<128x64xf32, #tpu.memory_space<vmem>>
        tpu.wait_dma2 semaphore(%dma_wait3A_762 : memref<!tpu.dma_semaphore, #tpu.memory_space<semaphore_mem>>) src(%dma_wait3A_768 : memref<128x64xf32, #tpu.memory_space<vmem>>) dst(%dma_wait3A_764 : memref<128x64xf32, #tpu.memory_space<hbm>>)
      } else {
      }
      %dma_start3A_258 = arith.constant 0 : i32
      %dma_start3A_259 = arith.constant 0 : i32
      %dma_start3A_260 = arith.constant 0 : i32
      %dma_start3A_261 = arith.constant 0 : i32
      %dma_start3A_262 = arith.constant 0 : i32
      %dma_start3A_263 = tpu.memref_slice %arg10[%dma_start3A_259, %dma_start3A_261, %dma_start3A_262] : memref<4x128x64xf32, #tpu.memory_space<vmem>> -> memref<1x128x64xf32, #tpu.memory_space<vmem>>
      %dma_start3A_264 = tpu.memref_squeeze %dma_start3A_263 : memref<1x128x64xf32, #tpu.memory_space<vmem>> -> memref<128x64xf32, #tpu.memory_space<vmem>>
      %dma_start3A_265 = arith.constant 0 : i32
      %dma_start3A_266 = tpu.memref_slice %arg8[%dma_start3A_258, %dma_start3A_265] : memref<4x128xi32, #tpu.memory_space<vmem>> -> memref<1x128xi32, #tpu.memory_space<vmem>>
      %dma_start3A_267 = tpu.memref_squeeze %dma_start3A_266 : memref<1x128xi32, #tpu.memory_space<vmem>> -> memref<128xi32, #tpu.memory_space<vmem>>
      %dma_start3A_268 = arith.constant 0 : i32
      %dma_start3A_269 = arith.constant 0 : i32
      %dma_start3A_270 = tpu.memref_slice %arg2[%dma_start3A_268, %dma_start3A_269] : memref<4096x64xf32, #tpu.memory_space<hbm>> -> memref<4096x64xf32, #tpu.memory_space<hbm>>
      %dma_start3A_271 = tpu.memref_slice %arg14[%dma_start3A_260] : memref<4x!tpu.dma_semaphore, #tpu.memory_space<semaphore_mem>> -> memref<1x!tpu.dma_semaphore, #tpu.memory_space<semaphore_mem>>
      %dma_start3A_272 = tpu.memref_squeeze %dma_start3A_271 : memref<1x!tpu.dma_semaphore, #tpu.memory_space<semaphore_mem>> -> memref<!tpu.dma_semaphore, #tpu.memory_space<semaphore_mem>>
      tpu.enqueue_indirect_dma source(%dma_start3A_270 : memref<4096x64xf32, #tpu.memory_space<hbm>>) target(%dma_start3A_264 : memref<128x64xf32, #tpu.memory_space<vmem>>) offsets(%dma_start3A_267 : memref<128xi32, #tpu.memory_space<vmem>>) semaphore(%dma_start3A_272 : memref<!tpu.dma_semaphore, #tpu.memory_space<semaphore_mem>>)
      %dma_wait3A_273 = arith.constant 0 : i32
      %dma_wait3A_274 = arith.constant 0 : i32
      %dma_wait3A_275 = arith.constant 0 : i32
      %dma_wait3A_276 = tpu.memref_slice %arg9[%dma_wait3A_273, %dma_wait3A_275] : memref<4x128xi32, #tpu.memory_space<vmem>> -> memref<1x128xi32, #tpu.memory_space<vmem>>
      %dma_wait3A_277 = tpu.memref_squeeze %dma_wait3A_276 : memref<1x128xi32, #tpu.memory_space<vmem>> -> memref<128xi32, #tpu.memory_space<vmem>>
      %dma_wait3A_278 = tpu.memref_slice %arg5[%add3A_142] : memref<131072xi32, #tpu.memory_space<hbm>> -> memref<128xi32, #tpu.memory_space<hbm>>
      %dma_wait3A_279 = tpu.memref_slice %arg13[%dma_wait3A_274] : memref<4x!tpu.dma_semaphore, #tpu.memory_space<semaphore_mem>> -> memref<1x!tpu.dma_semaphore, #tpu.memory_space<semaphore_mem>>
      %dma_wait3A_280 = tpu.memref_squeeze %dma_wait3A_279 : memref<1x!tpu.dma_semaphore, #tpu.memory_space<semaphore_mem>> -> memref<!tpu.dma_semaphore, #tpu.memory_space<semaphore_mem>>
      %dma_wait3A_281 = arith.constant 0 : i32
      %dma_wait3A_282 = tpu.memref_slice %arg9[%dma_wait3A_273, %dma_wait3A_281] : memref<4x128xi32, #tpu.memory_space<vmem>> -> memref<1x128xi32, #tpu.memory_space<vmem>>
      %dma_wait3A_283 = tpu.memref_squeeze %dma_wait3A_282 : memref<1x128xi32, #tpu.memory_space<vmem>> -> memref<128xi32, #tpu.memory_space<vmem>>
      %dma_wait3A_284 = tpu.memref_slice %arg5[%add3A_142] : memref<131072xi32, #tpu.memory_space<hbm>> -> memref<128xi32, #tpu.memory_space<hbm>>
      tpu.wait_dma2 semaphore(%dma_wait3A_280 : memref<!tpu.dma_semaphore, #tpu.memory_space<semaphore_mem>>) src(%dma_wait3A_284 : memref<128xi32, #tpu.memory_space<hbm>>) dst(%dma_wait3A_283 : memref<128xi32, #tpu.memory_space<vmem>>)
      %gt3A_285 = arith.constant 0 : i32
      %gt3A_286 = arith.cmpi sgt, %scan3A_135, %gt3A_285 : i32
      %convert_element_type3A_287 = arith.extui %gt3A_286 : i1 to i32
      %cond3A_288 = arith.constant 0 : i32
      %cond3A_289 = arith.cmpi ne, %convert_element_type3A_287, %cond3A_288 : i32
      scf.if %cond3A_289 {
        %dma_wait3A_753 = arith.constant 0 : i32
        %dma_wait3A_754 = arith.constant 0 : i32
        %dma_wait3A_755 = arith.constant 0 : i32
        %dma_wait3A_756 = arith.constant 0 : i32
        %dma_wait3A_757 = tpu.memref_slice %arg11[%dma_wait3A_753, %dma_wait3A_755, %dma_wait3A_756] : memref<4x128x64xf32, #tpu.memory_space<vmem>> -> memref<1x128x64xf32, #tpu.memory_space<vmem>>
        %dma_wait3A_758 = tpu.memref_squeeze %dma_wait3A_757 : memref<1x128x64xf32, #tpu.memory_space<vmem>> -> memref<128x64xf32, #tpu.memory_space<vmem>>
        %dma_wait3A_759 = arith.constant 0 : i32
        %dma_wait3A_760 = tpu.memref_slice %arg7[%mul3A_2, %dma_wait3A_759] : memref<131072x64xf32, #tpu.memory_space<hbm>> -> memref<128x64xf32, #tpu.memory_space<hbm>>
        %dma_wait3A_761 = tpu.memref_slice %arg17[%dma_wait3A_754] : memref<4x!tpu.dma_semaphore, #tpu.memory_space<semaphore_mem>> -> memref<1x!tpu.dma_semaphore, #tpu.memory_space<semaphore_mem>>
        %dma_wait3A_762 = tpu.memref_squeeze %dma_wait3A_761 : memref<1x!tpu.dma_semaphore, #tpu.memory_space<semaphore_mem>> -> memref<!tpu.dma_semaphore, #tpu.memory_space<semaphore_mem>>
        %dma_wait3A_763 = arith.constant 0 : i32
        %dma_wait3A_764 = tpu.memref_slice %arg7[%mul3A_2, %dma_wait3A_763] : memref<131072x64xf32, #tpu.memory_space<hbm>> -> memref<128x64xf32, #tpu.memory_space<hbm>>
        %dma_wait3A_765 = arith.constant 0 : i32
        %dma_wait3A_766 = arith.constant 0 : i32
        %dma_wait3A_767 = tpu.memref_slice %arg11[%dma_wait3A_753, %dma_wait3A_765, %dma_wait3A_766] : memref<4x128x64xf32, #tpu.memory_space<vmem>> -> memref<1x128x64xf32, #tpu.memory_space<vmem>>
        %dma_wait3A_768 = tpu.memref_squeeze %dma_wait3A_767 : memref<1x128x64xf32, #tpu.memory_space<vmem>> -> memref<128x64xf32, #tpu.memory_space<vmem>>
        tpu.wait_dma2 semaphore(%dma_wait3A_762 : memref<!tpu.dma_semaphore, #tpu.memory_space<semaphore_mem>>) src(%dma_wait3A_768 : memref<128x64xf32, #tpu.memory_space<vmem>>) dst(%dma_wait3A_764 : memref<128x64xf32, #tpu.memory_space<hbm>>)
      } else {
      }
      %dma_start3A_290 = arith.constant 0 : i32
      %dma_start3A_291 = arith.constant 0 : i32
      %dma_start3A_292 = arith.constant 0 : i32
      %dma_start3A_293 = arith.constant 0 : i32
      %dma_start3A_294 = arith.constant 0 : i32
      %dma_start3A_295 = tpu.memref_slice %arg11[%dma_start3A_291, %dma_start3A_293, %dma_start3A_294] : memref<4x128x64xf32, #tpu.memory_space<vmem>> -> memref<1x128x64xf32, #tpu.memory_space<vmem>>
      %dma_start3A_296 = tpu.memref_squeeze %dma_start3A_295 : memref<1x128x64xf32, #tpu.memory_space<vmem>> -> memref<128x64xf32, #tpu.memory_space<vmem>>
      %dma_start3A_297 = arith.constant 0 : i32
      %dma_start3A_298 = tpu.memref_slice %arg9[%dma_start3A_290, %dma_start3A_297] : memref<4x128xi32, #tpu.memory_space<vmem>> -> memref<1x128xi32, #tpu.memory_space<vmem>>
      %dma_start3A_299 = tpu.memref_squeeze %dma_start3A_298 : memref<1x128xi32, #tpu.memory_space<vmem>> -> memref<128xi32, #tpu.memory_space<vmem>>
      %dma_start3A_300 = arith.constant 0 : i32
      %dma_start3A_301 = arith.constant 0 : i32
      %dma_start3A_302 = tpu.memref_slice %arg3[%dma_start3A_300, %dma_start3A_301] : memref<16384x64xf32, #tpu.memory_space<hbm>> -> memref<16384x64xf32, #tpu.memory_space<hbm>>
      %dma_start3A_303 = tpu.memref_slice %arg15[%dma_start3A_292] : memref<4x!tpu.dma_semaphore, #tpu.memory_space<semaphore_mem>> -> memref<1x!tpu.dma_semaphore, #tpu.memory_space<semaphore_mem>>
      %dma_start3A_304 = tpu.memref_squeeze %dma_start3A_303 : memref<1x!tpu.dma_semaphore, #tpu.memory_space<semaphore_mem>> -> memref<!tpu.dma_semaphore, #tpu.memory_space<semaphore_mem>>
      tpu.enqueue_indirect_dma source(%dma_start3A_302 : memref<16384x64xf32, #tpu.memory_space<hbm>>) target(%dma_start3A_296 : memref<128x64xf32, #tpu.memory_space<vmem>>) offsets(%dma_start3A_299 : memref<128xi32, #tpu.memory_space<vmem>>) semaphore(%dma_start3A_304 : memref<!tpu.dma_semaphore, #tpu.memory_space<semaphore_mem>>)
      %dma_wait3A_305 = arith.constant 1 : i32
      %dma_wait3A_306 = arith.constant 1 : i32
      %dma_wait3A_307 = arith.constant 0 : i32
      %dma_wait3A_308 = tpu.memref_slice %arg8[%dma_wait3A_305, %dma_wait3A_307] : memref<4x128xi32, #tpu.memory_space<vmem>> -> memref<1x128xi32, #tpu.memory_space<vmem>>
      %dma_wait3A_309 = tpu.memref_squeeze %dma_wait3A_308 : memref<1x128xi32, #tpu.memory_space<vmem>> -> memref<128xi32, #tpu.memory_space<vmem>>
      %dma_wait3A_310 = tpu.memref_slice %arg4[%add3A_167] : memref<131072xi32, #tpu.memory_space<hbm>> -> memref<128xi32, #tpu.memory_space<hbm>>
      %dma_wait3A_311 = tpu.memref_slice %arg12[%dma_wait3A_306] : memref<4x!tpu.dma_semaphore, #tpu.memory_space<semaphore_mem>> -> memref<1x!tpu.dma_semaphore, #tpu.memory_space<semaphore_mem>>
      %dma_wait3A_312 = tpu.memref_squeeze %dma_wait3A_311 : memref<1x!tpu.dma_semaphore, #tpu.memory_space<semaphore_mem>> -> memref<!tpu.dma_semaphore, #tpu.memory_space<semaphore_mem>>
      %dma_wait3A_313 = arith.constant 0 : i32
      %dma_wait3A_314 = tpu.memref_slice %arg8[%dma_wait3A_305, %dma_wait3A_313] : memref<4x128xi32, #tpu.memory_space<vmem>> -> memref<1x128xi32, #tpu.memory_space<vmem>>
      %dma_wait3A_315 = tpu.memref_squeeze %dma_wait3A_314 : memref<1x128xi32, #tpu.memory_space<vmem>> -> memref<128xi32, #tpu.memory_space<vmem>>
      %dma_wait3A_316 = tpu.memref_slice %arg4[%add3A_167] : memref<131072xi32, #tpu.memory_space<hbm>> -> memref<128xi32, #tpu.memory_space<hbm>>
      tpu.wait_dma2 semaphore(%dma_wait3A_312 : memref<!tpu.dma_semaphore, #tpu.memory_space<semaphore_mem>>) src(%dma_wait3A_316 : memref<128xi32, #tpu.memory_space<hbm>>) dst(%dma_wait3A_315 : memref<128xi32, #tpu.memory_space<vmem>>)
      %gt3A_317 = arith.constant 0 : i32
      %gt3A_318 = arith.cmpi sgt, %scan3A_135, %gt3A_317 : i32
      %convert_element_type3A_319 = arith.extui %gt3A_318 : i1 to i32
      %cond3A_320 = arith.constant 0 : i32
      %cond3A_321 = arith.cmpi ne, %convert_element_type3A_319, %cond3A_320 : i32
      scf.if %cond3A_321 {
        %dma_wait3A_753 = arith.constant 1 : i32
        %dma_wait3A_754 = arith.constant 1 : i32
        %dma_wait3A_755 = arith.constant 0 : i32
        %dma_wait3A_756 = arith.constant 0 : i32
        %dma_wait3A_757 = tpu.memref_slice %arg10[%dma_wait3A_753, %dma_wait3A_755, %dma_wait3A_756] : memref<4x128x64xf32, #tpu.memory_space<vmem>> -> memref<1x128x64xf32, #tpu.memory_space<vmem>>
        %dma_wait3A_758 = tpu.memref_squeeze %dma_wait3A_757 : memref<1x128x64xf32, #tpu.memory_space<vmem>> -> memref<128x64xf32, #tpu.memory_space<vmem>>
        %dma_wait3A_759 = arith.constant 0 : i32
        %dma_wait3A_760 = tpu.memref_slice %arg6[%mul3A_2, %dma_wait3A_759] : memref<131072x64xf32, #tpu.memory_space<hbm>> -> memref<128x64xf32, #tpu.memory_space<hbm>>
        %dma_wait3A_761 = tpu.memref_slice %arg16[%dma_wait3A_754] : memref<4x!tpu.dma_semaphore, #tpu.memory_space<semaphore_mem>> -> memref<1x!tpu.dma_semaphore, #tpu.memory_space<semaphore_mem>>
        %dma_wait3A_762 = tpu.memref_squeeze %dma_wait3A_761 : memref<1x!tpu.dma_semaphore, #tpu.memory_space<semaphore_mem>> -> memref<!tpu.dma_semaphore, #tpu.memory_space<semaphore_mem>>
        %dma_wait3A_763 = arith.constant 0 : i32
        %dma_wait3A_764 = tpu.memref_slice %arg6[%mul3A_2, %dma_wait3A_763] : memref<131072x64xf32, #tpu.memory_space<hbm>> -> memref<128x64xf32, #tpu.memory_space<hbm>>
        %dma_wait3A_765 = arith.constant 0 : i32
        %dma_wait3A_766 = arith.constant 0 : i32
        %dma_wait3A_767 = tpu.memref_slice %arg10[%dma_wait3A_753, %dma_wait3A_765, %dma_wait3A_766] : memref<4x128x64xf32, #tpu.memory_space<vmem>> -> memref<1x128x64xf32, #tpu.memory_space<vmem>>
        %dma_wait3A_768 = tpu.memref_squeeze %dma_wait3A_767 : memref<1x128x64xf32, #tpu.memory_space<vmem>> -> memref<128x64xf32, #tpu.memory_space<vmem>>
        tpu.wait_dma2 semaphore(%dma_wait3A_762 : memref<!tpu.dma_semaphore, #tpu.memory_space<semaphore_mem>>) src(%dma_wait3A_768 : memref<128x64xf32, #tpu.memory_space<vmem>>) dst(%dma_wait3A_764 : memref<128x64xf32, #tpu.memory_space<hbm>>)
      } else {
      }
      %dma_start3A_322 = arith.constant 1 : i32
      %dma_start3A_323 = arith.constant 1 : i32
      %dma_start3A_324 = arith.constant 1 : i32
      %dma_start3A_325 = arith.constant 0 : i32
      %dma_start3A_326 = arith.constant 0 : i32
      %dma_start3A_327 = tpu.memref_slice %arg10[%dma_start3A_323, %dma_start3A_325, %dma_start3A_326] : memref<4x128x64xf32, #tpu.memory_space<vmem>> -> memref<1x128x64xf32, #tpu.memory_space<vmem>>
      %dma_start3A_328 = tpu.memref_squeeze %dma_start3A_327 : memref<1x128x64xf32, #tpu.memory_space<vmem>> -> memref<128x64xf32, #tpu.memory_space<vmem>>
      %dma_start3A_329 = arith.constant 0 : i32
      %dma_start3A_330 = tpu.memref_slice %arg8[%dma_start3A_322, %dma_start3A_329] : memref<4x128xi32, #tpu.memory_space<vmem>> -> memref<1x128xi32, #tpu.memory_space<vmem>>
      %dma_start3A_331 = tpu.memref_squeeze %dma_start3A_330 : memref<1x128xi32, #tpu.memory_space<vmem>> -> memref<128xi32, #tpu.memory_space<vmem>>
      %dma_start3A_332 = arith.constant 0 : i32
      %dma_start3A_333 = arith.constant 0 : i32
      %dma_start3A_334 = tpu.memref_slice %arg2[%dma_start3A_332, %dma_start3A_333] : memref<4096x64xf32, #tpu.memory_space<hbm>> -> memref<4096x64xf32, #tpu.memory_space<hbm>>
      %dma_start3A_335 = tpu.memref_slice %arg14[%dma_start3A_324] : memref<4x!tpu.dma_semaphore, #tpu.memory_space<semaphore_mem>> -> memref<1x!tpu.dma_semaphore, #tpu.memory_space<semaphore_mem>>
      %dma_start3A_336 = tpu.memref_squeeze %dma_start3A_335 : memref<1x!tpu.dma_semaphore, #tpu.memory_space<semaphore_mem>> -> memref<!tpu.dma_semaphore, #tpu.memory_space<semaphore_mem>>
      tpu.enqueue_indirect_dma source(%dma_start3A_334 : memref<4096x64xf32, #tpu.memory_space<hbm>>) target(%dma_start3A_328 : memref<128x64xf32, #tpu.memory_space<vmem>>) offsets(%dma_start3A_331 : memref<128xi32, #tpu.memory_space<vmem>>) semaphore(%dma_start3A_336 : memref<!tpu.dma_semaphore, #tpu.memory_space<semaphore_mem>>)
      %dma_wait3A_337 = arith.constant 1 : i32
      %dma_wait3A_338 = arith.constant 1 : i32
      %dma_wait3A_339 = arith.constant 0 : i32
      %dma_wait3A_340 = tpu.memref_slice %arg9[%dma_wait3A_337, %dma_wait3A_339] : memref<4x128xi32, #tpu.memory_space<vmem>> -> memref<1x128xi32, #tpu.memory_space<vmem>>
      %dma_wait3A_341 = tpu.memref_squeeze %dma_wait3A_340 : memref<1x128xi32, #tpu.memory_space<vmem>> -> memref<128xi32, #tpu.memory_space<vmem>>
      %dma_wait3A_342 = tpu.memref_slice %arg5[%add3A_167] : memref<131072xi32, #tpu.memory_space<hbm>> -> memref<128xi32, #tpu.memory_space<hbm>>
      %dma_wait3A_343 = tpu.memref_slice %arg13[%dma_wait3A_338] : memref<4x!tpu.dma_semaphore, #tpu.memory_space<semaphore_mem>> -> memref<1x!tpu.dma_semaphore, #tpu.memory_space<semaphore_mem>>
      %dma_wait3A_344 = tpu.memref_squeeze %dma_wait3A_343 : memref<1x!tpu.dma_semaphore, #tpu.memory_space<semaphore_mem>> -> memref<!tpu.dma_semaphore, #tpu.memory_space<semaphore_mem>>
      %dma_wait3A_345 = arith.constant 0 : i32
      %dma_wait3A_346 = tpu.memref_slice %arg9[%dma_wait3A_337, %dma_wait3A_345] : memref<4x128xi32, #tpu.memory_space<vmem>> -> memref<1x128xi32, #tpu.memory_space<vmem>>
      %dma_wait3A_347 = tpu.memref_squeeze %dma_wait3A_346 : memref<1x128xi32, #tpu.memory_space<vmem>> -> memref<128xi32, #tpu.memory_space<vmem>>
      %dma_wait3A_348 = tpu.memref_slice %arg5[%add3A_167] : memref<131072xi32, #tpu.memory_space<hbm>> -> memref<128xi32, #tpu.memory_space<hbm>>
      tpu.wait_dma2 semaphore(%dma_wait3A_344 : memref<!tpu.dma_semaphore, #tpu.memory_space<semaphore_mem>>) src(%dma_wait3A_348 : memref<128xi32, #tpu.memory_space<hbm>>) dst(%dma_wait3A_347 : memref<128xi32, #tpu.memory_space<vmem>>)
      %gt3A_349 = arith.constant 0 : i32
      %gt3A_350 = arith.cmpi sgt, %scan3A_135, %gt3A_349 : i32
      %convert_element_type3A_351 = arith.extui %gt3A_350 : i1 to i32
      %cond3A_352 = arith.constant 0 : i32
      %cond3A_353 = arith.cmpi ne, %convert_element_type3A_351, %cond3A_352 : i32
      scf.if %cond3A_353 {
        %dma_wait3A_753 = arith.constant 1 : i32
        %dma_wait3A_754 = arith.constant 1 : i32
        %dma_wait3A_755 = arith.constant 0 : i32
        %dma_wait3A_756 = arith.constant 0 : i32
        %dma_wait3A_757 = tpu.memref_slice %arg11[%dma_wait3A_753, %dma_wait3A_755, %dma_wait3A_756] : memref<4x128x64xf32, #tpu.memory_space<vmem>> -> memref<1x128x64xf32, #tpu.memory_space<vmem>>
        %dma_wait3A_758 = tpu.memref_squeeze %dma_wait3A_757 : memref<1x128x64xf32, #tpu.memory_space<vmem>> -> memref<128x64xf32, #tpu.memory_space<vmem>>
        %dma_wait3A_759 = arith.constant 0 : i32
        %dma_wait3A_760 = tpu.memref_slice %arg7[%mul3A_2, %dma_wait3A_759] : memref<131072x64xf32, #tpu.memory_space<hbm>> -> memref<128x64xf32, #tpu.memory_space<hbm>>
        %dma_wait3A_761 = tpu.memref_slice %arg17[%dma_wait3A_754] : memref<4x!tpu.dma_semaphore, #tpu.memory_space<semaphore_mem>> -> memref<1x!tpu.dma_semaphore, #tpu.memory_space<semaphore_mem>>
        %dma_wait3A_762 = tpu.memref_squeeze %dma_wait3A_761 : memref<1x!tpu.dma_semaphore, #tpu.memory_space<semaphore_mem>> -> memref<!tpu.dma_semaphore, #tpu.memory_space<semaphore_mem>>
        %dma_wait3A_763 = arith.constant 0 : i32
        %dma_wait3A_764 = tpu.memref_slice %arg7[%mul3A_2, %dma_wait3A_763] : memref<131072x64xf32, #tpu.memory_space<hbm>> -> memref<128x64xf32, #tpu.memory_space<hbm>>
        %dma_wait3A_765 = arith.constant 0 : i32
        %dma_wait3A_766 = arith.constant 0 : i32
        %dma_wait3A_767 = tpu.memref_slice %arg11[%dma_wait3A_753, %dma_wait3A_765, %dma_wait3A_766] : memref<4x128x64xf32, #tpu.memory_space<vmem>> -> memref<1x128x64xf32, #tpu.memory_space<vmem>>
        %dma_wait3A_768 = tpu.memref_squeeze %dma_wait3A_767 : memref<1x128x64xf32, #tpu.memory_space<vmem>> -> memref<128x64xf32, #tpu.memory_space<vmem>>
        tpu.wait_dma2 semaphore(%dma_wait3A_762 : memref<!tpu.dma_semaphore, #tpu.memory_space<semaphore_mem>>) src(%dma_wait3A_768 : memref<128x64xf32, #tpu.memory_space<vmem>>) dst(%dma_wait3A_764 : memref<128x64xf32, #tpu.memory_space<hbm>>)
      } else {
      }
      %dma_start3A_354 = arith.constant 1 : i32
      %dma_start3A_355 = arith.constant 1 : i32
      %dma_start3A_356 = arith.constant 1 : i32
      %dma_start3A_357 = arith.constant 0 : i32
      %dma_start3A_358 = arith.constant 0 : i32
      %dma_start3A_359 = tpu.memref_slice %arg11[%dma_start3A_355, %dma_start3A_357, %dma_start3A_358] : memref<4x128x64xf32, #tpu.memory_space<vmem>> -> memref<1x128x64xf32, #tpu.memory_space<vmem>>
      %dma_start3A_360 = tpu.memref_squeeze %dma_start3A_359 : memref<1x128x64xf32, #tpu.memory_space<vmem>> -> memref<128x64xf32, #tpu.memory_space<vmem>>
      %dma_start3A_361 = arith.constant 0 : i32
      %dma_start3A_362 = tpu.memref_slice %arg9[%dma_start3A_354, %dma_start3A_361] : memref<4x128xi32, #tpu.memory_space<vmem>> -> memref<1x128xi32, #tpu.memory_space<vmem>>
      %dma_start3A_363 = tpu.memref_squeeze %dma_start3A_362 : memref<1x128xi32, #tpu.memory_space<vmem>> -> memref<128xi32, #tpu.memory_space<vmem>>
      %dma_start3A_364 = arith.constant 0 : i32
      %dma_start3A_365 = arith.constant 0 : i32
      %dma_start3A_366 = tpu.memref_slice %arg3[%dma_start3A_364, %dma_start3A_365] : memref<16384x64xf32, #tpu.memory_space<hbm>> -> memref<16384x64xf32, #tpu.memory_space<hbm>>
      %dma_start3A_367 = tpu.memref_slice %arg15[%dma_start3A_356] : memref<4x!tpu.dma_semaphore, #tpu.memory_space<semaphore_mem>> -> memref<1x!tpu.dma_semaphore, #tpu.memory_space<semaphore_mem>>
      %dma_start3A_368 = tpu.memref_squeeze %dma_start3A_367 : memref<1x!tpu.dma_semaphore, #tpu.memory_space<semaphore_mem>> -> memref<!tpu.dma_semaphore, #tpu.memory_space<semaphore_mem>>
      tpu.enqueue_indirect_dma source(%dma_start3A_366 : memref<16384x64xf32, #tpu.memory_space<hbm>>) target(%dma_start3A_360 : memref<128x64xf32, #tpu.memory_space<vmem>>) offsets(%dma_start3A_363 : memref<128xi32, #tpu.memory_space<vmem>>) semaphore(%dma_start3A_368 : memref<!tpu.dma_semaphore, #tpu.memory_space<semaphore_mem>>)
      %dma_wait3A_369 = arith.constant 2 : i32
      %dma_wait3A_370 = arith.constant 2 : i32
      %dma_wait3A_371 = arith.constant 0 : i32
      %dma_wait3A_372 = tpu.memref_slice %arg8[%dma_wait3A_369, %dma_wait3A_371] : memref<4x128xi32, #tpu.memory_space<vmem>> -> memref<1x128xi32, #tpu.memory_space<vmem>>
      %dma_wait3A_373 = tpu.memref_squeeze %dma_wait3A_372 : memref<1x128xi32, #tpu.memory_space<vmem>> -> memref<128xi32, #tpu.memory_space<vmem>>
      %dma_wait3A_374 = tpu.memref_slice %arg4[%add3A_193] : memref<131072xi32, #tpu.memory_space<hbm>> -> memref<128xi32, #tpu.memory_space<hbm>>
      %dma_wait3A_375 = tpu.memref_slice %arg12[%dma_wait3A_370] : memref<4x!tpu.dma_semaphore, #tpu.memory_space<semaphore_mem>> -> memref<1x!tpu.dma_semaphore, #tpu.memory_space<semaphore_mem>>
      %dma_wait3A_376 = tpu.memref_squeeze %dma_wait3A_375 : memref<1x!tpu.dma_semaphore, #tpu.memory_space<semaphore_mem>> -> memref<!tpu.dma_semaphore, #tpu.memory_space<semaphore_mem>>
      %dma_wait3A_377 = arith.constant 0 : i32
      %dma_wait3A_378 = tpu.memref_slice %arg8[%dma_wait3A_369, %dma_wait3A_377] : memref<4x128xi32, #tpu.memory_space<vmem>> -> memref<1x128xi32, #tpu.memory_space<vmem>>
      %dma_wait3A_379 = tpu.memref_squeeze %dma_wait3A_378 : memref<1x128xi32, #tpu.memory_space<vmem>> -> memref<128xi32, #tpu.memory_space<vmem>>
      %dma_wait3A_380 = tpu.memref_slice %arg4[%add3A_193] : memref<131072xi32, #tpu.memory_space<hbm>> -> memref<128xi32, #tpu.memory_space<hbm>>
      tpu.wait_dma2 semaphore(%dma_wait3A_376 : memref<!tpu.dma_semaphore, #tpu.memory_space<semaphore_mem>>) src(%dma_wait3A_380 : memref<128xi32, #tpu.memory_space<hbm>>) dst(%dma_wait3A_379 : memref<128xi32, #tpu.memory_space<vmem>>)
      %gt3A_381 = arith.constant 0 : i32
      %gt3A_382 = arith.cmpi sgt, %scan3A_135, %gt3A_381 : i32
      %convert_element_type3A_383 = arith.extui %gt3A_382 : i1 to i32
      %cond3A_384 = arith.constant 0 : i32
      %cond3A_385 = arith.cmpi ne, %convert_element_type3A_383, %cond3A_384 : i32
      scf.if %cond3A_385 {
        %dma_wait3A_753 = arith.constant 2 : i32
        %dma_wait3A_754 = arith.constant 2 : i32
        %dma_wait3A_755 = arith.constant 0 : i32
        %dma_wait3A_756 = arith.constant 0 : i32
        %dma_wait3A_757 = tpu.memref_slice %arg10[%dma_wait3A_753, %dma_wait3A_755, %dma_wait3A_756] : memref<4x128x64xf32, #tpu.memory_space<vmem>> -> memref<1x128x64xf32, #tpu.memory_space<vmem>>
        %dma_wait3A_758 = tpu.memref_squeeze %dma_wait3A_757 : memref<1x128x64xf32, #tpu.memory_space<vmem>> -> memref<128x64xf32, #tpu.memory_space<vmem>>
        %dma_wait3A_759 = arith.constant 0 : i32
        %dma_wait3A_760 = tpu.memref_slice %arg6[%mul3A_2, %dma_wait3A_759] : memref<131072x64xf32, #tpu.memory_space<hbm>> -> memref<128x64xf32, #tpu.memory_space<hbm>>
        %dma_wait3A_761 = tpu.memref_slice %arg16[%dma_wait3A_754] : memref<4x!tpu.dma_semaphore, #tpu.memory_space<semaphore_mem>> -> memref<1x!tpu.dma_semaphore, #tpu.memory_space<semaphore_mem>>
        %dma_wait3A_762 = tpu.memref_squeeze %dma_wait3A_761 : memref<1x!tpu.dma_semaphore, #tpu.memory_space<semaphore_mem>> -> memref<!tpu.dma_semaphore, #tpu.memory_space<semaphore_mem>>
        %dma_wait3A_763 = arith.constant 0 : i32
        %dma_wait3A_764 = tpu.memref_slice %arg6[%mul3A_2, %dma_wait3A_763] : memref<131072x64xf32, #tpu.memory_space<hbm>> -> memref<128x64xf32, #tpu.memory_space<hbm>>
        %dma_wait3A_765 = arith.constant 0 : i32
        %dma_wait3A_766 = arith.constant 0 : i32
        %dma_wait3A_767 = tpu.memref_slice %arg10[%dma_wait3A_753, %dma_wait3A_765, %dma_wait3A_766] : memref<4x128x64xf32, #tpu.memory_space<vmem>> -> memref<1x128x64xf32, #tpu.memory_space<vmem>>
        %dma_wait3A_768 = tpu.memref_squeeze %dma_wait3A_767 : memref<1x128x64xf32, #tpu.memory_space<vmem>> -> memref<128x64xf32, #tpu.memory_space<vmem>>
        tpu.wait_dma2 semaphore(%dma_wait3A_762 : memref<!tpu.dma_semaphore, #tpu.memory_space<semaphore_mem>>) src(%dma_wait3A_768 : memref<128x64xf32, #tpu.memory_space<vmem>>) dst(%dma_wait3A_764 : memref<128x64xf32, #tpu.memory_space<hbm>>)
      } else {
      }
      %dma_start3A_386 = arith.constant 2 : i32
      %dma_start3A_387 = arith.constant 2 : i32
      %dma_start3A_388 = arith.constant 2 : i32
      %dma_start3A_389 = arith.constant 0 : i32
      %dma_start3A_390 = arith.constant 0 : i32
      %dma_start3A_391 = tpu.memref_slice %arg10[%dma_start3A_387, %dma_start3A_389, %dma_start3A_390] : memref<4x128x64xf32, #tpu.memory_space<vmem>> -> memref<1x128x64xf32, #tpu.memory_space<vmem>>
      %dma_start3A_392 = tpu.memref_squeeze %dma_start3A_391 : memref<1x128x64xf32, #tpu.memory_space<vmem>> -> memref<128x64xf32, #tpu.memory_space<vmem>>
      %dma_start3A_393 = arith.constant 0 : i32
      %dma_start3A_394 = tpu.memref_slice %arg8[%dma_start3A_386, %dma_start3A_393] : memref<4x128xi32, #tpu.memory_space<vmem>> -> memref<1x128xi32, #tpu.memory_space<vmem>>
      %dma_start3A_395 = tpu.memref_squeeze %dma_start3A_394 : memref<1x128xi32, #tpu.memory_space<vmem>> -> memref<128xi32, #tpu.memory_space<vmem>>
      %dma_start3A_396 = arith.constant 0 : i32
      %dma_start3A_397 = arith.constant 0 : i32
      %dma_start3A_398 = tpu.memref_slice %arg2[%dma_start3A_396, %dma_start3A_397] : memref<4096x64xf32, #tpu.memory_space<hbm>> -> memref<4096x64xf32, #tpu.memory_space<hbm>>
      %dma_start3A_399 = tpu.memref_slice %arg14[%dma_start3A_388] : memref<4x!tpu.dma_semaphore, #tpu.memory_space<semaphore_mem>> -> memref<1x!tpu.dma_semaphore, #tpu.memory_space<semaphore_mem>>
      %dma_start3A_400 = tpu.memref_squeeze %dma_start3A_399 : memref<1x!tpu.dma_semaphore, #tpu.memory_space<semaphore_mem>> -> memref<!tpu.dma_semaphore, #tpu.memory_space<semaphore_mem>>
      tpu.enqueue_indirect_dma source(%dma_start3A_398 : memref<4096x64xf32, #tpu.memory_space<hbm>>) target(%dma_start3A_392 : memref<128x64xf32, #tpu.memory_space<vmem>>) offsets(%dma_start3A_395 : memref<128xi32, #tpu.memory_space<vmem>>) semaphore(%dma_start3A_400 : memref<!tpu.dma_semaphore, #tpu.memory_space<semaphore_mem>>)
      %dma_wait3A_401 = arith.constant 2 : i32
      %dma_wait3A_402 = arith.constant 2 : i32
      %dma_wait3A_403 = arith.constant 0 : i32
      %dma_wait3A_404 = tpu.memref_slice %arg9[%dma_wait3A_401, %dma_wait3A_403] : memref<4x128xi32, #tpu.memory_space<vmem>> -> memref<1x128xi32, #tpu.memory_space<vmem>>
      %dma_wait3A_405 = tpu.memref_squeeze %dma_wait3A_404 : memref<1x128xi32, #tpu.memory_space<vmem>> -> memref<128xi32, #tpu.memory_space<vmem>>
      %dma_wait3A_406 = tpu.memref_slice %arg5[%add3A_193] : memref<131072xi32, #tpu.memory_space<hbm>> -> memref<128xi32, #tpu.memory_space<hbm>>
      %dma_wait3A_407 = tpu.memref_slice %arg13[%dma_wait3A_402] : memref<4x!tpu.dma_semaphore, #tpu.memory_space<semaphore_mem>> -> memref<1x!tpu.dma_semaphore, #tpu.memory_space<semaphore_mem>>
      %dma_wait3A_408 = tpu.memref_squeeze %dma_wait3A_407 : memref<1x!tpu.dma_semaphore, #tpu.memory_space<semaphore_mem>> -> memref<!tpu.dma_semaphore, #tpu.memory_space<semaphore_mem>>
      %dma_wait3A_409 = arith.constant 0 : i32
      %dma_wait3A_410 = tpu.memref_slice %arg9[%dma_wait3A_401, %dma_wait3A_409] : memref<4x128xi32, #tpu.memory_space<vmem>> -> memref<1x128xi32, #tpu.memory_space<vmem>>
      %dma_wait3A_411 = tpu.memref_squeeze %dma_wait3A_410 : memref<1x128xi32, #tpu.memory_space<vmem>> -> memref<128xi32, #tpu.memory_space<vmem>>
      %dma_wait3A_412 = tpu.memref_slice %arg5[%add3A_193] : memref<131072xi32, #tpu.memory_space<hbm>> -> memref<128xi32, #tpu.memory_space<hbm>>
      tpu.wait_dma2 semaphore(%dma_wait3A_408 : memref<!tpu.dma_semaphore, #tpu.memory_space<semaphore_mem>>) src(%dma_wait3A_412 : memref<128xi32, #tpu.memory_space<hbm>>) dst(%dma_wait3A_411 : memref<128xi32, #tpu.memory_space<vmem>>)
      %gt3A_413 = arith.constant 0 : i32
      %gt3A_414 = arith.cmpi sgt, %scan3A_135, %gt3A_413 : i32
      %convert_element_type3A_415 = arith.extui %gt3A_414 : i1 to i32
      %cond3A_416 = arith.constant 0 : i32
      %cond3A_417 = arith.cmpi ne, %convert_element_type3A_415, %cond3A_416 : i32
      scf.if %cond3A_417 {
        %dma_wait3A_753 = arith.constant 2 : i32
        %dma_wait3A_754 = arith.constant 2 : i32
        %dma_wait3A_755 = arith.constant 0 : i32
        %dma_wait3A_756 = arith.constant 0 : i32
        %dma_wait3A_757 = tpu.memref_slice %arg11[%dma_wait3A_753, %dma_wait3A_755, %dma_wait3A_756] : memref<4x128x64xf32, #tpu.memory_space<vmem>> -> memref<1x128x64xf32, #tpu.memory_space<vmem>>
        %dma_wait3A_758 = tpu.memref_squeeze %dma_wait3A_757 : memref<1x128x64xf32, #tpu.memory_space<vmem>> -> memref<128x64xf32, #tpu.memory_space<vmem>>
        %dma_wait3A_759 = arith.constant 0 : i32
        %dma_wait3A_760 = tpu.memref_slice %arg7[%mul3A_2, %dma_wait3A_759] : memref<131072x64xf32, #tpu.memory_space<hbm>> -> memref<128x64xf32, #tpu.memory_space<hbm>>
        %dma_wait3A_761 = tpu.memref_slice %arg17[%dma_wait3A_754] : memref<4x!tpu.dma_semaphore, #tpu.memory_space<semaphore_mem>> -> memref<1x!tpu.dma_semaphore, #tpu.memory_space<semaphore_mem>>
        %dma_wait3A_762 = tpu.memref_squeeze %dma_wait3A_761 : memref<1x!tpu.dma_semaphore, #tpu.memory_space<semaphore_mem>> -> memref<!tpu.dma_semaphore, #tpu.memory_space<semaphore_mem>>
        %dma_wait3A_763 = arith.constant 0 : i32
        %dma_wait3A_764 = tpu.memref_slice %arg7[%mul3A_2, %dma_wait3A_763] : memref<131072x64xf32, #tpu.memory_space<hbm>> -> memref<128x64xf32, #tpu.memory_space<hbm>>
        %dma_wait3A_765 = arith.constant 0 : i32
        %dma_wait3A_766 = arith.constant 0 : i32
        %dma_wait3A_767 = tpu.memref_slice %arg11[%dma_wait3A_753, %dma_wait3A_765, %dma_wait3A_766] : memref<4x128x64xf32, #tpu.memory_space<vmem>> -> memref<1x128x64xf32, #tpu.memory_space<vmem>>
        %dma_wait3A_768 = tpu.memref_squeeze %dma_wait3A_767 : memref<1x128x64xf32, #tpu.memory_space<vmem>> -> memref<128x64xf32, #tpu.memory_space<vmem>>
        tpu.wait_dma2 semaphore(%dma_wait3A_762 : memref<!tpu.dma_semaphore, #tpu.memory_space<semaphore_mem>>) src(%dma_wait3A_768 : memref<128x64xf32, #tpu.memory_space<vmem>>) dst(%dma_wait3A_764 : memref<128x64xf32, #tpu.memory_space<hbm>>)
      } else {
      }
      %dma_start3A_418 = arith.constant 2 : i32
      %dma_start3A_419 = arith.constant 2 : i32
      %dma_start3A_420 = arith.constant 2 : i32
      %dma_start3A_421 = arith.constant 0 : i32
      %dma_start3A_422 = arith.constant 0 : i32
      %dma_start3A_423 = tpu.memref_slice %arg11[%dma_start3A_419, %dma_start3A_421, %dma_start3A_422] : memref<4x128x64xf32, #tpu.memory_space<vmem>> -> memref<1x128x64xf32, #tpu.memory_space<vmem>>
      %dma_start3A_424 = tpu.memref_squeeze %dma_start3A_423 : memref<1x128x64xf32, #tpu.memory_space<vmem>> -> memref<128x64xf32, #tpu.memory_space<vmem>>
      %dma_start3A_425 = arith.constant 0 : i32
      %dma_start3A_426 = tpu.memref_slice %arg9[%dma_start3A_418, %dma_start3A_425] : memref<4x128xi32, #tpu.memory_space<vmem>> -> memref<1x128xi32, #tpu.memory_space<vmem>>
      %dma_start3A_427 = tpu.memref_squeeze %dma_start3A_426 : memref<1x128xi32, #tpu.memory_space<vmem>> -> memref<128xi32, #tpu.memory_space<vmem>>
      %dma_start3A_428 = arith.constant 0 : i32
      %dma_start3A_429 = arith.constant 0 : i32
      %dma_start3A_430 = tpu.memref_slice %arg3[%dma_start3A_428, %dma_start3A_429] : memref<16384x64xf32, #tpu.memory_space<hbm>> -> memref<16384x64xf32, #tpu.memory_space<hbm>>
      %dma_start3A_431 = tpu.memref_slice %arg15[%dma_start3A_420] : memref<4x!tpu.dma_semaphore, #tpu.memory_space<semaphore_mem>> -> memref<1x!tpu.dma_semaphore, #tpu.memory_space<semaphore_mem>>
      %dma_start3A_432 = tpu.memref_squeeze %dma_start3A_431 : memref<1x!tpu.dma_semaphore, #tpu.memory_space<semaphore_mem>> -> memref<!tpu.dma_semaphore, #tpu.memory_space<semaphore_mem>>
      tpu.enqueue_indirect_dma source(%dma_start3A_430 : memref<16384x64xf32, #tpu.memory_space<hbm>>) target(%dma_start3A_424 : memref<128x64xf32, #tpu.memory_space<vmem>>) offsets(%dma_start3A_427 : memref<128xi32, #tpu.memory_space<vmem>>) semaphore(%dma_start3A_432 : memref<!tpu.dma_semaphore, #tpu.memory_space<semaphore_mem>>)
      %dma_wait3A_433 = arith.constant 3 : i32
      %dma_wait3A_434 = arith.constant 3 : i32
      %dma_wait3A_435 = arith.constant 0 : i32
      %dma_wait3A_436 = tpu.memref_slice %arg8[%dma_wait3A_433, %dma_wait3A_435] : memref<4x128xi32, #tpu.memory_space<vmem>> -> memref<1x128xi32, #tpu.memory_space<vmem>>
      %dma_wait3A_437 = tpu.memref_squeeze %dma_wait3A_436 : memref<1x128xi32, #tpu.memory_space<vmem>> -> memref<128xi32, #tpu.memory_space<vmem>>
      %dma_wait3A_438 = tpu.memref_slice %arg4[%add3A_219] : memref<131072xi32, #tpu.memory_space<hbm>> -> memref<128xi32, #tpu.memory_space<hbm>>
      %dma_wait3A_439 = tpu.memref_slice %arg12[%dma_wait3A_434] : memref<4x!tpu.dma_semaphore, #tpu.memory_space<semaphore_mem>> -> memref<1x!tpu.dma_semaphore, #tpu.memory_space<semaphore_mem>>
      %dma_wait3A_440 = tpu.memref_squeeze %dma_wait3A_439 : memref<1x!tpu.dma_semaphore, #tpu.memory_space<semaphore_mem>> -> memref<!tpu.dma_semaphore, #tpu.memory_space<semaphore_mem>>
      %dma_wait3A_441 = arith.constant 0 : i32
      %dma_wait3A_442 = tpu.memref_slice %arg8[%dma_wait3A_433, %dma_wait3A_441] : memref<4x128xi32, #tpu.memory_space<vmem>> -> memref<1x128xi32, #tpu.memory_space<vmem>>
      %dma_wait3A_443 = tpu.memref_squeeze %dma_wait3A_442 : memref<1x128xi32, #tpu.memory_space<vmem>> -> memref<128xi32, #tpu.memory_space<vmem>>
      %dma_wait3A_444 = tpu.memref_slice %arg4[%add3A_219] : memref<131072xi32, #tpu.memory_space<hbm>> -> memref<128xi32, #tpu.memory_space<hbm>>
      tpu.wait_dma2 semaphore(%dma_wait3A_440 : memref<!tpu.dma_semaphore, #tpu.memory_space<semaphore_mem>>) src(%dma_wait3A_444 : memref<128xi32, #tpu.memory_space<hbm>>) dst(%dma_wait3A_443 : memref<128xi32, #tpu.memory_space<vmem>>)
      %gt3A_445 = arith.constant 0 : i32
      %gt3A_446 = arith.cmpi sgt, %scan3A_135, %gt3A_445 : i32
      %convert_element_type3A_447 = arith.extui %gt3A_446 : i1 to i32
      %cond3A_448 = arith.constant 0 : i32
      %cond3A_449 = arith.cmpi ne, %convert_element_type3A_447, %cond3A_448 : i32
      scf.if %cond3A_449 {
        %dma_wait3A_753 = arith.constant 3 : i32
        %dma_wait3A_754 = arith.constant 3 : i32
        %dma_wait3A_755 = arith.constant 0 : i32
        %dma_wait3A_756 = arith.constant 0 : i32
        %dma_wait3A_757 = tpu.memref_slice %arg10[%dma_wait3A_753, %dma_wait3A_755, %dma_wait3A_756] : memref<4x128x64xf32, #tpu.memory_space<vmem>> -> memref<1x128x64xf32, #tpu.memory_space<vmem>>
        %dma_wait3A_758 = tpu.memref_squeeze %dma_wait3A_757 : memref<1x128x64xf32, #tpu.memory_space<vmem>> -> memref<128x64xf32, #tpu.memory_space<vmem>>
        %dma_wait3A_759 = arith.constant 0 : i32
        %dma_wait3A_760 = tpu.memref_slice %arg6[%mul3A_2, %dma_wait3A_759] : memref<131072x64xf32, #tpu.memory_space<hbm>> -> memref<128x64xf32, #tpu.memory_space<hbm>>
        %dma_wait3A_761 = tpu.memref_slice %arg16[%dma_wait3A_754] : memref<4x!tpu.dma_semaphore, #tpu.memory_space<semaphore_mem>> -> memref<1x!tpu.dma_semaphore, #tpu.memory_space<semaphore_mem>>
        %dma_wait3A_762 = tpu.memref_squeeze %dma_wait3A_761 : memref<1x!tpu.dma_semaphore, #tpu.memory_space<semaphore_mem>> -> memref<!tpu.dma_semaphore, #tpu.memory_space<semaphore_mem>>
        %dma_wait3A_763 = arith.constant 0 : i32
        %dma_wait3A_764 = tpu.memref_slice %arg6[%mul3A_2, %dma_wait3A_763] : memref<131072x64xf32, #tpu.memory_space<hbm>> -> memref<128x64xf32, #tpu.memory_space<hbm>>
        %dma_wait3A_765 = arith.constant 0 : i32
        %dma_wait3A_766 = arith.constant 0 : i32
        %dma_wait3A_767 = tpu.memref_slice %arg10[%dma_wait3A_753, %dma_wait3A_765, %dma_wait3A_766] : memref<4x128x64xf32, #tpu.memory_space<vmem>> -> memref<1x128x64xf32, #tpu.memory_space<vmem>>
        %dma_wait3A_768 = tpu.memref_squeeze %dma_wait3A_767 : memref<1x128x64xf32, #tpu.memory_space<vmem>> -> memref<128x64xf32, #tpu.memory_space<vmem>>
        tpu.wait_dma2 semaphore(%dma_wait3A_762 : memref<!tpu.dma_semaphore, #tpu.memory_space<semaphore_mem>>) src(%dma_wait3A_768 : memref<128x64xf32, #tpu.memory_space<vmem>>) dst(%dma_wait3A_764 : memref<128x64xf32, #tpu.memory_space<hbm>>)
      } else {
      }
      %dma_start3A_450 = arith.constant 3 : i32
      %dma_start3A_451 = arith.constant 3 : i32
      %dma_start3A_452 = arith.constant 3 : i32
      %dma_start3A_453 = arith.constant 0 : i32
      %dma_start3A_454 = arith.constant 0 : i32
      %dma_start3A_455 = tpu.memref_slice %arg10[%dma_start3A_451, %dma_start3A_453, %dma_start3A_454] : memref<4x128x64xf32, #tpu.memory_space<vmem>> -> memref<1x128x64xf32, #tpu.memory_space<vmem>>
      %dma_start3A_456 = tpu.memref_squeeze %dma_start3A_455 : memref<1x128x64xf32, #tpu.memory_space<vmem>> -> memref<128x64xf32, #tpu.memory_space<vmem>>
      %dma_start3A_457 = arith.constant 0 : i32
      %dma_start3A_458 = tpu.memref_slice %arg8[%dma_start3A_450, %dma_start3A_457] : memref<4x128xi32, #tpu.memory_space<vmem>> -> memref<1x128xi32, #tpu.memory_space<vmem>>
      %dma_start3A_459 = tpu.memref_squeeze %dma_start3A_458 : memref<1x128xi32, #tpu.memory_space<vmem>> -> memref<128xi32, #tpu.memory_space<vmem>>
      %dma_start3A_460 = arith.constant 0 : i32
      %dma_start3A_461 = arith.constant 0 : i32
      %dma_start3A_462 = tpu.memref_slice %arg2[%dma_start3A_460, %dma_start3A_461] : memref<4096x64xf32, #tpu.memory_space<hbm>> -> memref<4096x64xf32, #tpu.memory_space<hbm>>
      %dma_start3A_463 = tpu.memref_slice %arg14[%dma_start3A_452] : memref<4x!tpu.dma_semaphore, #tpu.memory_space<semaphore_mem>> -> memref<1x!tpu.dma_semaphore, #tpu.memory_space<semaphore_mem>>
      %dma_start3A_464 = tpu.memref_squeeze %dma_start3A_463 : memref<1x!tpu.dma_semaphore, #tpu.memory_space<semaphore_mem>> -> memref<!tpu.dma_semaphore, #tpu.memory_space<semaphore_mem>>
      tpu.enqueue_indirect_dma source(%dma_start3A_462 : memref<4096x64xf32, #tpu.memory_space<hbm>>) target(%dma_start3A_456 : memref<128x64xf32, #tpu.memory_space<vmem>>) offsets(%dma_start3A_459 : memref<128xi32, #tpu.memory_space<vmem>>) semaphore(%dma_start3A_464 : memref<!tpu.dma_semaphore, #tpu.memory_space<semaphore_mem>>)
      %dma_wait3A_465 = arith.constant 3 : i32
      %dma_wait3A_466 = arith.constant 3 : i32
      %dma_wait3A_467 = arith.constant 0 : i32
      %dma_wait3A_468 = tpu.memref_slice %arg9[%dma_wait3A_465, %dma_wait3A_467] : memref<4x128xi32, #tpu.memory_space<vmem>> -> memref<1x128xi32, #tpu.memory_space<vmem>>
      %dma_wait3A_469 = tpu.memref_squeeze %dma_wait3A_468 : memref<1x128xi32, #tpu.memory_space<vmem>> -> memref<128xi32, #tpu.memory_space<vmem>>
      %dma_wait3A_470 = tpu.memref_slice %arg5[%add3A_219] : memref<131072xi32, #tpu.memory_space<hbm>> -> memref<128xi32, #tpu.memory_space<hbm>>
      %dma_wait3A_471 = tpu.memref_slice %arg13[%dma_wait3A_466] : memref<4x!tpu.dma_semaphore, #tpu.memory_space<semaphore_mem>> -> memref<1x!tpu.dma_semaphore, #tpu.memory_space<semaphore_mem>>
      %dma_wait3A_472 = tpu.memref_squeeze %dma_wait3A_471 : memref<1x!tpu.dma_semaphore, #tpu.memory_space<semaphore_mem>> -> memref<!tpu.dma_semaphore, #tpu.memory_space<semaphore_mem>>
      %dma_wait3A_473 = arith.constant 0 : i32
      %dma_wait3A_474 = tpu.memref_slice %arg9[%dma_wait3A_465, %dma_wait3A_473] : memref<4x128xi32, #tpu.memory_space<vmem>> -> memref<1x128xi32, #tpu.memory_space<vmem>>
      %dma_wait3A_475 = tpu.memref_squeeze %dma_wait3A_474 : memref<1x128xi32, #tpu.memory_space<vmem>> -> memref<128xi32, #tpu.memory_space<vmem>>
      %dma_wait3A_476 = tpu.memref_slice %arg5[%add3A_219] : memref<131072xi32, #tpu.memory_space<hbm>> -> memref<128xi32, #tpu.memory_space<hbm>>
      tpu.wait_dma2 semaphore(%dma_wait3A_472 : memref<!tpu.dma_semaphore, #tpu.memory_space<semaphore_mem>>) src(%dma_wait3A_476 : memref<128xi32, #tpu.memory_space<hbm>>) dst(%dma_wait3A_475 : memref<128xi32, #tpu.memory_space<vmem>>)
      %gt3A_477 = arith.constant 0 : i32
      %gt3A_478 = arith.cmpi sgt, %scan3A_135, %gt3A_477 : i32
      %convert_element_type3A_479 = arith.extui %gt3A_478 : i1 to i32
      %cond3A_480 = arith.constant 0 : i32
      %cond3A_481 = arith.cmpi ne, %convert_element_type3A_479, %cond3A_480 : i32
      scf.if %cond3A_481 {
        %dma_wait3A_753 = arith.constant 3 : i32
        %dma_wait3A_754 = arith.constant 3 : i32
        %dma_wait3A_755 = arith.constant 0 : i32
        %dma_wait3A_756 = arith.constant 0 : i32
        %dma_wait3A_757 = tpu.memref_slice %arg11[%dma_wait3A_753, %dma_wait3A_755, %dma_wait3A_756] : memref<4x128x64xf32, #tpu.memory_space<vmem>> -> memref<1x128x64xf32, #tpu.memory_space<vmem>>
        %dma_wait3A_758 = tpu.memref_squeeze %dma_wait3A_757 : memref<1x128x64xf32, #tpu.memory_space<vmem>> -> memref<128x64xf32, #tpu.memory_space<vmem>>
        %dma_wait3A_759 = arith.constant 0 : i32
        %dma_wait3A_760 = tpu.memref_slice %arg7[%mul3A_2, %dma_wait3A_759] : memref<131072x64xf32, #tpu.memory_space<hbm>> -> memref<128x64xf32, #tpu.memory_space<hbm>>
        %dma_wait3A_761 = tpu.memref_slice %arg17[%dma_wait3A_754] : memref<4x!tpu.dma_semaphore, #tpu.memory_space<semaphore_mem>> -> memref<1x!tpu.dma_semaphore, #tpu.memory_space<semaphore_mem>>
        %dma_wait3A_762 = tpu.memref_squeeze %dma_wait3A_761 : memref<1x!tpu.dma_semaphore, #tpu.memory_space<semaphore_mem>> -> memref<!tpu.dma_semaphore, #tpu.memory_space<semaphore_mem>>
        %dma_wait3A_763 = arith.constant 0 : i32
        %dma_wait3A_764 = tpu.memref_slice %arg7[%mul3A_2, %dma_wait3A_763] : memref<131072x64xf32, #tpu.memory_space<hbm>> -> memref<128x64xf32, #tpu.memory_space<hbm>>
        %dma_wait3A_765 = arith.constant 0 : i32
        %dma_wait3A_766 = arith.constant 0 : i32
        %dma_wait3A_767 = tpu.memref_slice %arg11[%dma_wait3A_753, %dma_wait3A_765, %dma_wait3A_766] : memref<4x128x64xf32, #tpu.memory_space<vmem>> -> memref<1x128x64xf32, #tpu.memory_space<vmem>>
        %dma_wait3A_768 = tpu.memref_squeeze %dma_wait3A_767 : memref<1x128x64xf32, #tpu.memory_space<vmem>> -> memref<128x64xf32, #tpu.memory_space<vmem>>
        tpu.wait_dma2 semaphore(%dma_wait3A_762 : memref<!tpu.dma_semaphore, #tpu.memory_space<semaphore_mem>>) src(%dma_wait3A_768 : memref<128x64xf32, #tpu.memory_space<vmem>>) dst(%dma_wait3A_764 : memref<128x64xf32, #tpu.memory_space<hbm>>)
      } else {
      }
      %dma_start3A_482 = arith.constant 3 : i32
      %dma_start3A_483 = arith.constant 3 : i32
      %dma_start3A_484 = arith.constant 3 : i32
      %dma_start3A_485 = arith.constant 0 : i32
      %dma_start3A_486 = arith.constant 0 : i32
      %dma_start3A_487 = tpu.memref_slice %arg11[%dma_start3A_483, %dma_start3A_485, %dma_start3A_486] : memref<4x128x64xf32, #tpu.memory_space<vmem>> -> memref<1x128x64xf32, #tpu.memory_space<vmem>>
      %dma_start3A_488 = tpu.memref_squeeze %dma_start3A_487 : memref<1x128x64xf32, #tpu.memory_space<vmem>> -> memref<128x64xf32, #tpu.memory_space<vmem>>
      %dma_start3A_489 = arith.constant 0 : i32
      %dma_start3A_490 = tpu.memref_slice %arg9[%dma_start3A_482, %dma_start3A_489] : memref<4x128xi32, #tpu.memory_space<vmem>> -> memref<1x128xi32, #tpu.memory_space<vmem>>
      %dma_start3A_491 = tpu.memref_squeeze %dma_start3A_490 : memref<1x128xi32, #tpu.memory_space<vmem>> -> memref<128xi32, #tpu.memory_space<vmem>>
      %dma_start3A_492 = arith.constant 0 : i32
      %dma_start3A_493 = arith.constant 0 : i32
      %dma_start3A_494 = tpu.memref_slice %arg3[%dma_start3A_492, %dma_start3A_493] : memref<16384x64xf32, #tpu.memory_space<hbm>> -> memref<16384x64xf32, #tpu.memory_space<hbm>>
      %dma_start3A_495 = tpu.memref_slice %arg15[%dma_start3A_484] : memref<4x!tpu.dma_semaphore, #tpu.memory_space<semaphore_mem>> -> memref<1x!tpu.dma_semaphore, #tpu.memory_space<semaphore_mem>>
      %dma_start3A_496 = tpu.memref_squeeze %dma_start3A_495 : memref<1x!tpu.dma_semaphore, #tpu.memory_space<semaphore_mem>> -> memref<!tpu.dma_semaphore, #tpu.memory_space<semaphore_mem>>
      tpu.enqueue_indirect_dma source(%dma_start3A_494 : memref<16384x64xf32, #tpu.memory_space<hbm>>) target(%dma_start3A_488 : memref<128x64xf32, #tpu.memory_space<vmem>>) offsets(%dma_start3A_491 : memref<128xi32, #tpu.memory_space<vmem>>) semaphore(%dma_start3A_496 : memref<!tpu.dma_semaphore, #tpu.memory_space<semaphore_mem>>)
      %add3A_497 = arith.constant 0 : i32
      %add3A_498 = arith.addi %add3A_140, %add3A_497 : i32
      %dma_wait3A_499 = arith.constant 0 : i32
      %dma_wait3A_500 = arith.constant 0 : i32
      %dma_wait3A_501 = arith.constant 0 : i32
      %dma_wait3A_502 = arith.constant 0 : i32
      %dma_wait3A_503 = arith.constant 0 : i32
      %dma_wait3A_504 = tpu.memref_slice %arg10[%dma_wait3A_500, %dma_wait3A_502, %dma_wait3A_503] : memref<4x128x64xf32, #tpu.memory_space<vmem>> -> memref<1x128x64xf32, #tpu.memory_space<vmem>>
      %dma_wait3A_505 = tpu.memref_squeeze %dma_wait3A_504 : memref<1x128x64xf32, #tpu.memory_space<vmem>> -> memref<128x64xf32, #tpu.memory_space<vmem>>
      %dma_wait3A_506 = arith.constant 0 : i32
      %dma_wait3A_507 = tpu.memref_slice %arg8[%dma_wait3A_499, %dma_wait3A_506] : memref<4x128xi32, #tpu.memory_space<vmem>> -> memref<1x128xi32, #tpu.memory_space<vmem>>
      %dma_wait3A_508 = tpu.memref_squeeze %dma_wait3A_507 : memref<1x128xi32, #tpu.memory_space<vmem>> -> memref<128xi32, #tpu.memory_space<vmem>>
      %dma_wait3A_509 = arith.constant 0 : i32
      %dma_wait3A_510 = arith.constant 0 : i32
      %dma_wait3A_511 = tpu.memref_slice %arg2[%dma_wait3A_509, %dma_wait3A_510] : memref<4096x64xf32, #tpu.memory_space<hbm>> -> memref<4096x64xf32, #tpu.memory_space<hbm>>
      %dma_wait3A_512 = tpu.memref_slice %arg14[%dma_wait3A_501] : memref<4x!tpu.dma_semaphore, #tpu.memory_space<semaphore_mem>> -> memref<1x!tpu.dma_semaphore, #tpu.memory_space<semaphore_mem>>
      %dma_wait3A_513 = tpu.memref_squeeze %dma_wait3A_512 : memref<1x!tpu.dma_semaphore, #tpu.memory_space<semaphore_mem>> -> memref<!tpu.dma_semaphore, #tpu.memory_space<semaphore_mem>>
      tpu.wait_indirect_dma semaphore(%dma_wait3A_513 : memref<!tpu.dma_semaphore, #tpu.memory_space<semaphore_mem>>) src(%dma_wait3A_511 : memref<4096x64xf32, #tpu.memory_space<hbm>>) dst(%dma_wait3A_505 : memref<128x64xf32, #tpu.memory_space<vmem>>)
      %dma_start3A_514 = arith.constant 0 : i32
      %dma_start3A_515 = arith.constant 0 : i32
      %dma_start3A_516 = arith.constant 0 : i32
      %dma_start3A_517 = arith.constant 0 : i32
      %dma_start3A_518 = tpu.memref_slice %arg10[%dma_start3A_514, %dma_start3A_516, %dma_start3A_517] : memref<4x128x64xf32, #tpu.memory_space<vmem>> -> memref<1x128x64xf32, #tpu.memory_space<vmem>>
      %dma_start3A_519 = tpu.memref_squeeze %dma_start3A_518 : memref<1x128x64xf32, #tpu.memory_space<vmem>> -> memref<128x64xf32, #tpu.memory_space<vmem>>
      %dma_start3A_520 = arith.constant 0 : i32
      %dma_start3A_521 = tpu.memref_slice %arg6[%add3A_498, %dma_start3A_520] : memref<131072x64xf32, #tpu.memory_space<hbm>> -> memref<128x64xf32, #tpu.memory_space<hbm>>
      %dma_start3A_522 = tpu.memref_slice %arg16[%dma_start3A_515] : memref<4x!tpu.dma_semaphore, #tpu.memory_space<semaphore_mem>> -> memref<1x!tpu.dma_semaphore, #tpu.memory_space<semaphore_mem>>
      %dma_start3A_523 = tpu.memref_squeeze %dma_start3A_522 : memref<1x!tpu.dma_semaphore, #tpu.memory_space<semaphore_mem>> -> memref<!tpu.dma_semaphore, #tpu.memory_space<semaphore_mem>>
      %dma_start3A_524 = arith.constant 0 : i32
      %dma_start3A_525 = tpu.memref_slice %arg6[%add3A_498, %dma_start3A_524] : memref<131072x64xf32, #tpu.memory_space<hbm>> -> memref<128x64xf32, #tpu.memory_space<hbm>>
      %dma_start3A_526 = arith.constant 0 : i32
      %dma_start3A_527 = arith.constant 0 : i32
      %dma_start3A_528 = tpu.memref_slice %arg10[%dma_start3A_514, %dma_start3A_526, %dma_start3A_527] : memref<4x128x64xf32, #tpu.memory_space<vmem>> -> memref<1x128x64xf32, #tpu.memory_space<vmem>>
      %dma_start3A_529 = tpu.memref_squeeze %dma_start3A_528 : memref<1x128x64xf32, #tpu.memory_space<vmem>> -> memref<128x64xf32, #tpu.memory_space<vmem>>
      tpu.enqueue_dma source(%dma_start3A_529 : memref<128x64xf32, #tpu.memory_space<vmem>>) target(%dma_start3A_525 : memref<128x64xf32, #tpu.memory_space<hbm>>) target_semaphore(%dma_start3A_523 : memref<!tpu.dma_semaphore, #tpu.memory_space<semaphore_mem>>)
      %dma_wait3A_530 = arith.constant 0 : i32
      %dma_wait3A_531 = arith.constant 0 : i32
      %dma_wait3A_532 = arith.constant 0 : i32
      %dma_wait3A_533 = arith.constant 0 : i32
      %dma_wait3A_534 = arith.constant 0 : i32
      %dma_wait3A_535 = tpu.memref_slice %arg11[%dma_wait3A_531, %dma_wait3A_533, %dma_wait3A_534] : memref<4x128x64xf32, #tpu.memory_space<vmem>> -> memref<1x128x64xf32, #tpu.memory_space<vmem>>
      %dma_wait3A_536 = tpu.memref_squeeze %dma_wait3A_535 : memref<1x128x64xf32, #tpu.memory_space<vmem>> -> memref<128x64xf32, #tpu.memory_space<vmem>>
      %dma_wait3A_537 = arith.constant 0 : i32
      %dma_wait3A_538 = tpu.memref_slice %arg9[%dma_wait3A_530, %dma_wait3A_537] : memref<4x128xi32, #tpu.memory_space<vmem>> -> memref<1x128xi32, #tpu.memory_space<vmem>>
      %dma_wait3A_539 = tpu.memref_squeeze %dma_wait3A_538 : memref<1x128xi32, #tpu.memory_space<vmem>> -> memref<128xi32, #tpu.memory_space<vmem>>
      %dma_wait3A_540 = arith.constant 0 : i32
      %dma_wait3A_541 = arith.constant 0 : i32
      %dma_wait3A_542 = tpu.memref_slice %arg3[%dma_wait3A_540, %dma_wait3A_541] : memref<16384x64xf32, #tpu.memory_space<hbm>> -> memref<16384x64xf32, #tpu.memory_space<hbm>>
      %dma_wait3A_543 = tpu.memref_slice %arg15[%dma_wait3A_532] : memref<4x!tpu.dma_semaphore, #tpu.memory_space<semaphore_mem>> -> memref<1x!tpu.dma_semaphore, #tpu.memory_space<semaphore_mem>>
      %dma_wait3A_544 = tpu.memref_squeeze %dma_wait3A_543 : memref<1x!tpu.dma_semaphore, #tpu.memory_space<semaphore_mem>> -> memref<!tpu.dma_semaphore, #tpu.memory_space<semaphore_mem>>
      tpu.wait_indirect_dma semaphore(%dma_wait3A_544 : memref<!tpu.dma_semaphore, #tpu.memory_space<semaphore_mem>>) src(%dma_wait3A_542 : memref<16384x64xf32, #tpu.memory_space<hbm>>) dst(%dma_wait3A_536 : memref<128x64xf32, #tpu.memory_space<vmem>>)
      %dma_start3A_545 = arith.constant 0 : i32
      %dma_start3A_546 = arith.constant 0 : i32
      %dma_start3A_547 = arith.constant 0 : i32
      %dma_start3A_548 = arith.constant 0 : i32
      %dma_start3A_549 = tpu.memref_slice %arg11[%dma_start3A_545, %dma_start3A_547, %dma_start3A_548] : memref<4x128x64xf32, #tpu.memory_space<vmem>> -> memref<1x128x64xf32, #tpu.memory_space<vmem>>
      %dma_start3A_550 = tpu.memref_squeeze %dma_start3A_549 : memref<1x128x64xf32, #tpu.memory_space<vmem>> -> memref<128x64xf32, #tpu.memory_space<vmem>>
      %dma_start3A_551 = arith.constant 0 : i32
      %dma_start3A_552 = tpu.memref_slice %arg7[%add3A_498, %dma_start3A_551] : memref<131072x64xf32, #tpu.memory_space<hbm>> -> memref<128x64xf32, #tpu.memory_space<hbm>>
      %dma_start3A_553 = tpu.memref_slice %arg17[%dma_start3A_546] : memref<4x!tpu.dma_semaphore, #tpu.memory_space<semaphore_mem>> -> memref<1x!tpu.dma_semaphore, #tpu.memory_space<semaphore_mem>>
      %dma_start3A_554 = tpu.memref_squeeze %dma_start3A_553 : memref<1x!tpu.dma_semaphore, #tpu.memory_space<semaphore_mem>> -> memref<!tpu.dma_semaphore, #tpu.memory_space<semaphore_mem>>
      %dma_start3A_555 = arith.constant 0 : i32
      %dma_start3A_556 = tpu.memref_slice %arg7[%add3A_498, %dma_start3A_555] : memref<131072x64xf32, #tpu.memory_space<hbm>> -> memref<128x64xf32, #tpu.memory_space<hbm>>
      %dma_start3A_557 = arith.constant 0 : i32
      %dma_start3A_558 = arith.constant 0 : i32
      %dma_start3A_559 = tpu.memref_slice %arg11[%dma_start3A_545, %dma_start3A_557, %dma_start3A_558] : memref<4x128x64xf32, #tpu.memory_space<vmem>> -> memref<1x128x64xf32, #tpu.memory_space<vmem>>
      %dma_start3A_560 = tpu.memref_squeeze %dma_start3A_559 : memref<1x128x64xf32, #tpu.memory_space<vmem>> -> memref<128x64xf32, #tpu.memory_space<vmem>>
      tpu.enqueue_dma source(%dma_start3A_560 : memref<128x64xf32, #tpu.memory_space<vmem>>) target(%dma_start3A_556 : memref<128x64xf32, #tpu.memory_space<hbm>>) target_semaphore(%dma_start3A_554 : memref<!tpu.dma_semaphore, #tpu.memory_space<semaphore_mem>>)
      %add3A_561 = arith.constant 128 : i32
      %add3A_562 = arith.addi %add3A_140, %add3A_561 : i32
      %dma_wait3A_563 = arith.constant 1 : i32
      %dma_wait3A_564 = arith.constant 1 : i32
      %dma_wait3A_565 = arith.constant 1 : i32
      %dma_wait3A_566 = arith.constant 0 : i32
      %dma_wait3A_567 = arith.constant 0 : i32
      %dma_wait3A_568 = tpu.memref_slice %arg10[%dma_wait3A_564, %dma_wait3A_566, %dma_wait3A_567] : memref<4x128x64xf32, #tpu.memory_space<vmem>> -> memref<1x128x64xf32, #tpu.memory_space<vmem>>
      %dma_wait3A_569 = tpu.memref_squeeze %dma_wait3A_568 : memref<1x128x64xf32, #tpu.memory_space<vmem>> -> memref<128x64xf32, #tpu.memory_space<vmem>>
      %dma_wait3A_570 = arith.constant 0 : i32
      %dma_wait3A_571 = tpu.memref_slice %arg8[%dma_wait3A_563, %dma_wait3A_570] : memref<4x128xi32, #tpu.memory_space<vmem>> -> memref<1x128xi32, #tpu.memory_space<vmem>>
      %dma_wait3A_572 = tpu.memref_squeeze %dma_wait3A_571 : memref<1x128xi32, #tpu.memory_space<vmem>> -> memref<128xi32, #tpu.memory_space<vmem>>
      %dma_wait3A_573 = arith.constant 0 : i32
      %dma_wait3A_574 = arith.constant 0 : i32
      %dma_wait3A_575 = tpu.memref_slice %arg2[%dma_wait3A_573, %dma_wait3A_574] : memref<4096x64xf32, #tpu.memory_space<hbm>> -> memref<4096x64xf32, #tpu.memory_space<hbm>>
      %dma_wait3A_576 = tpu.memref_slice %arg14[%dma_wait3A_565] : memref<4x!tpu.dma_semaphore, #tpu.memory_space<semaphore_mem>> -> memref<1x!tpu.dma_semaphore, #tpu.memory_space<semaphore_mem>>
      %dma_wait3A_577 = tpu.memref_squeeze %dma_wait3A_576 : memref<1x!tpu.dma_semaphore, #tpu.memory_space<semaphore_mem>> -> memref<!tpu.dma_semaphore, #tpu.memory_space<semaphore_mem>>
      tpu.wait_indirect_dma semaphore(%dma_wait3A_577 : memref<!tpu.dma_semaphore, #tpu.memory_space<semaphore_mem>>) src(%dma_wait3A_575 : memref<4096x64xf32, #tpu.memory_space<hbm>>) dst(%dma_wait3A_569 : memref<128x64xf32, #tpu.memory_space<vmem>>)
      %dma_start3A_578 = arith.constant 1 : i32
      %dma_start3A_579 = arith.constant 1 : i32
      %dma_start3A_580 = arith.constant 0 : i32
      %dma_start3A_581 = arith.constant 0 : i32
      %dma_start3A_582 = tpu.memref_slice %arg10[%dma_start3A_578, %dma_start3A_580, %dma_start3A_581] : memref<4x128x64xf32, #tpu.memory_space<vmem>> -> memref<1x128x64xf32, #tpu.memory_space<vmem>>
      %dma_start3A_583 = tpu.memref_squeeze %dma_start3A_582 : memref<1x128x64xf32, #tpu.memory_space<vmem>> -> memref<128x64xf32, #tpu.memory_space<vmem>>
      %dma_start3A_584 = arith.constant 0 : i32
      %dma_start3A_585 = tpu.memref_slice %arg6[%add3A_562, %dma_start3A_584] : memref<131072x64xf32, #tpu.memory_space<hbm>> -> memref<128x64xf32, #tpu.memory_space<hbm>>
      %dma_start3A_586 = tpu.memref_slice %arg16[%dma_start3A_579] : memref<4x!tpu.dma_semaphore, #tpu.memory_space<semaphore_mem>> -> memref<1x!tpu.dma_semaphore, #tpu.memory_space<semaphore_mem>>
      %dma_start3A_587 = tpu.memref_squeeze %dma_start3A_586 : memref<1x!tpu.dma_semaphore, #tpu.memory_space<semaphore_mem>> -> memref<!tpu.dma_semaphore, #tpu.memory_space<semaphore_mem>>
      %dma_start3A_588 = arith.constant 0 : i32
      %dma_start3A_589 = tpu.memref_slice %arg6[%add3A_562, %dma_start3A_588] : memref<131072x64xf32, #tpu.memory_space<hbm>> -> memref<128x64xf32, #tpu.memory_space<hbm>>
      %dma_start3A_590 = arith.constant 0 : i32
      %dma_start3A_591 = arith.constant 0 : i32
      %dma_start3A_592 = tpu.memref_slice %arg10[%dma_start3A_578, %dma_start3A_590, %dma_start3A_591] : memref<4x128x64xf32, #tpu.memory_space<vmem>> -> memref<1x128x64xf32, #tpu.memory_space<vmem>>
      %dma_start3A_593 = tpu.memref_squeeze %dma_start3A_592 : memref<1x128x64xf32, #tpu.memory_space<vmem>> -> memref<128x64xf32, #tpu.memory_space<vmem>>
      tpu.enqueue_dma source(%dma_start3A_593 : memref<128x64xf32, #tpu.memory_space<vmem>>) target(%dma_start3A_589 : memref<128x64xf32, #tpu.memory_space<hbm>>) target_semaphore(%dma_start3A_587 : memref<!tpu.dma_semaphore, #tpu.memory_space<semaphore_mem>>)
      %dma_wait3A_594 = arith.constant 1 : i32
      %dma_wait3A_595 = arith.constant 1 : i32
      %dma_wait3A_596 = arith.constant 1 : i32
      %dma_wait3A_597 = arith.constant 0 : i32
      %dma_wait3A_598 = arith.constant 0 : i32
      %dma_wait3A_599 = tpu.memref_slice %arg11[%dma_wait3A_595, %dma_wait3A_597, %dma_wait3A_598] : memref<4x128x64xf32, #tpu.memory_space<vmem>> -> memref<1x128x64xf32, #tpu.memory_space<vmem>>
      %dma_wait3A_600 = tpu.memref_squeeze %dma_wait3A_599 : memref<1x128x64xf32, #tpu.memory_space<vmem>> -> memref<128x64xf32, #tpu.memory_space<vmem>>
      %dma_wait3A_601 = arith.constant 0 : i32
      %dma_wait3A_602 = tpu.memref_slice %arg9[%dma_wait3A_594, %dma_wait3A_601] : memref<4x128xi32, #tpu.memory_space<vmem>> -> memref<1x128xi32, #tpu.memory_space<vmem>>
      %dma_wait3A_603 = tpu.memref_squeeze %dma_wait3A_602 : memref<1x128xi32, #tpu.memory_space<vmem>> -> memref<128xi32, #tpu.memory_space<vmem>>
      %dma_wait3A_604 = arith.constant 0 : i32
      %dma_wait3A_605 = arith.constant 0 : i32
      %dma_wait3A_606 = tpu.memref_slice %arg3[%dma_wait3A_604, %dma_wait3A_605] : memref<16384x64xf32, #tpu.memory_space<hbm>> -> memref<16384x64xf32, #tpu.memory_space<hbm>>
      %dma_wait3A_607 = tpu.memref_slice %arg15[%dma_wait3A_596] : memref<4x!tpu.dma_semaphore, #tpu.memory_space<semaphore_mem>> -> memref<1x!tpu.dma_semaphore, #tpu.memory_space<semaphore_mem>>
      %dma_wait3A_608 = tpu.memref_squeeze %dma_wait3A_607 : memref<1x!tpu.dma_semaphore, #tpu.memory_space<semaphore_mem>> -> memref<!tpu.dma_semaphore, #tpu.memory_space<semaphore_mem>>
      tpu.wait_indirect_dma semaphore(%dma_wait3A_608 : memref<!tpu.dma_semaphore, #tpu.memory_space<semaphore_mem>>) src(%dma_wait3A_606 : memref<16384x64xf32, #tpu.memory_space<hbm>>) dst(%dma_wait3A_600 : memref<128x64xf32, #tpu.memory_space<vmem>>)
      %dma_start3A_609 = arith.constant 1 : i32
      %dma_start3A_610 = arith.constant 1 : i32
      %dma_start3A_611 = arith.constant 0 : i32
      %dma_start3A_612 = arith.constant 0 : i32
      %dma_start3A_613 = tpu.memref_slice %arg11[%dma_start3A_609, %dma_start3A_611, %dma_start3A_612] : memref<4x128x64xf32, #tpu.memory_space<vmem>> -> memref<1x128x64xf32, #tpu.memory_space<vmem>>
      %dma_start3A_614 = tpu.memref_squeeze %dma_start3A_613 : memref<1x128x64xf32, #tpu.memory_space<vmem>> -> memref<128x64xf32, #tpu.memory_space<vmem>>
      %dma_start3A_615 = arith.constant 0 : i32
      %dma_start3A_616 = tpu.memref_slice %arg7[%add3A_562, %dma_start3A_615] : memref<131072x64xf32, #tpu.memory_space<hbm>> -> memref<128x64xf32, #tpu.memory_space<hbm>>
      %dma_start3A_617 = tpu.memref_slice %arg17[%dma_start3A_610] : memref<4x!tpu.dma_semaphore, #tpu.memory_space<semaphore_mem>> -> memref<1x!tpu.dma_semaphore, #tpu.memory_space<semaphore_mem>>
      %dma_start3A_618 = tpu.memref_squeeze %dma_start3A_617 : memref<1x!tpu.dma_semaphore, #tpu.memory_space<semaphore_mem>> -> memref<!tpu.dma_semaphore, #tpu.memory_space<semaphore_mem>>
      %dma_start3A_619 = arith.constant 0 : i32
      %dma_start3A_620 = tpu.memref_slice %arg7[%add3A_562, %dma_start3A_619] : memref<131072x64xf32, #tpu.memory_space<hbm>> -> memref<128x64xf32, #tpu.memory_space<hbm>>
      %dma_start3A_621 = arith.constant 0 : i32
      %dma_start3A_622 = arith.constant 0 : i32
      %dma_start3A_623 = tpu.memref_slice %arg11[%dma_start3A_609, %dma_start3A_621, %dma_start3A_622] : memref<4x128x64xf32, #tpu.memory_space<vmem>> -> memref<1x128x64xf32, #tpu.memory_space<vmem>>
      %dma_start3A_624 = tpu.memref_squeeze %dma_start3A_623 : memref<1x128x64xf32, #tpu.memory_space<vmem>> -> memref<128x64xf32, #tpu.memory_space<vmem>>
      tpu.enqueue_dma source(%dma_start3A_624 : memref<128x64xf32, #tpu.memory_space<vmem>>) target(%dma_start3A_620 : memref<128x64xf32, #tpu.memory_space<hbm>>) target_semaphore(%dma_start3A_618 : memref<!tpu.dma_semaphore, #tpu.memory_space<semaphore_mem>>)
      %add3A_625 = arith.constant 256 : i32
      %add3A_626 = arith.addi %add3A_140, %add3A_625 : i32
      %dma_wait3A_627 = arith.constant 2 : i32
      %dma_wait3A_628 = arith.constant 2 : i32
      %dma_wait3A_629 = arith.constant 2 : i32
      %dma_wait3A_630 = arith.constant 0 : i32
      %dma_wait3A_631 = arith.constant 0 : i32
      %dma_wait3A_632 = tpu.memref_slice %arg10[%dma_wait3A_628, %dma_wait3A_630, %dma_wait3A_631] : memref<4x128x64xf32, #tpu.memory_space<vmem>> -> memref<1x128x64xf32, #tpu.memory_space<vmem>>
      %dma_wait3A_633 = tpu.memref_squeeze %dma_wait3A_632 : memref<1x128x64xf32, #tpu.memory_space<vmem>> -> memref<128x64xf32, #tpu.memory_space<vmem>>
      %dma_wait3A_634 = arith.constant 0 : i32
      %dma_wait3A_635 = tpu.memref_slice %arg8[%dma_wait3A_627, %dma_wait3A_634] : memref<4x128xi32, #tpu.memory_space<vmem>> -> memref<1x128xi32, #tpu.memory_space<vmem>>
      %dma_wait3A_636 = tpu.memref_squeeze %dma_wait3A_635 : memref<1x128xi32, #tpu.memory_space<vmem>> -> memref<128xi32, #tpu.memory_space<vmem>>
      %dma_wait3A_637 = arith.constant 0 : i32
      %dma_wait3A_638 = arith.constant 0 : i32
      %dma_wait3A_639 = tpu.memref_slice %arg2[%dma_wait3A_637, %dma_wait3A_638] : memref<4096x64xf32, #tpu.memory_space<hbm>> -> memref<4096x64xf32, #tpu.memory_space<hbm>>
      %dma_wait3A_640 = tpu.memref_slice %arg14[%dma_wait3A_629] : memref<4x!tpu.dma_semaphore, #tpu.memory_space<semaphore_mem>> -> memref<1x!tpu.dma_semaphore, #tpu.memory_space<semaphore_mem>>
      %dma_wait3A_641 = tpu.memref_squeeze %dma_wait3A_640 : memref<1x!tpu.dma_semaphore, #tpu.memory_space<semaphore_mem>> -> memref<!tpu.dma_semaphore, #tpu.memory_space<semaphore_mem>>
      tpu.wait_indirect_dma semaphore(%dma_wait3A_641 : memref<!tpu.dma_semaphore, #tpu.memory_space<semaphore_mem>>) src(%dma_wait3A_639 : memref<4096x64xf32, #tpu.memory_space<hbm>>) dst(%dma_wait3A_633 : memref<128x64xf32, #tpu.memory_space<vmem>>)
      %dma_start3A_642 = arith.constant 2 : i32
      %dma_start3A_643 = arith.constant 2 : i32
      %dma_start3A_644 = arith.constant 0 : i32
      %dma_start3A_645 = arith.constant 0 : i32
      %dma_start3A_646 = tpu.memref_slice %arg10[%dma_start3A_642, %dma_start3A_644, %dma_start3A_645] : memref<4x128x64xf32, #tpu.memory_space<vmem>> -> memref<1x128x64xf32, #tpu.memory_space<vmem>>
      %dma_start3A_647 = tpu.memref_squeeze %dma_start3A_646 : memref<1x128x64xf32, #tpu.memory_space<vmem>> -> memref<128x64xf32, #tpu.memory_space<vmem>>
      %dma_start3A_648 = arith.constant 0 : i32
      %dma_start3A_649 = tpu.memref_slice %arg6[%add3A_626, %dma_start3A_648] : memref<131072x64xf32, #tpu.memory_space<hbm>> -> memref<128x64xf32, #tpu.memory_space<hbm>>
      %dma_start3A_650 = tpu.memref_slice %arg16[%dma_start3A_643] : memref<4x!tpu.dma_semaphore, #tpu.memory_space<semaphore_mem>> -> memref<1x!tpu.dma_semaphore, #tpu.memory_space<semaphore_mem>>
      %dma_start3A_651 = tpu.memref_squeeze %dma_start3A_650 : memref<1x!tpu.dma_semaphore, #tpu.memory_space<semaphore_mem>> -> memref<!tpu.dma_semaphore, #tpu.memory_space<semaphore_mem>>
      %dma_start3A_652 = arith.constant 0 : i32
      %dma_start3A_653 = tpu.memref_slice %arg6[%add3A_626, %dma_start3A_652] : memref<131072x64xf32, #tpu.memory_space<hbm>> -> memref<128x64xf32, #tpu.memory_space<hbm>>
      %dma_start3A_654 = arith.constant 0 : i32
      %dma_start3A_655 = arith.constant 0 : i32
      %dma_start3A_656 = tpu.memref_slice %arg10[%dma_start3A_642, %dma_start3A_654, %dma_start3A_655] : memref<4x128x64xf32, #tpu.memory_space<vmem>> -> memref<1x128x64xf32, #tpu.memory_space<vmem>>
      %dma_start3A_657 = tpu.memref_squeeze %dma_start3A_656 : memref<1x128x64xf32, #tpu.memory_space<vmem>> -> memref<128x64xf32, #tpu.memory_space<vmem>>
      tpu.enqueue_dma source(%dma_start3A_657 : memref<128x64xf32, #tpu.memory_space<vmem>>) target(%dma_start3A_653 : memref<128x64xf32, #tpu.memory_space<hbm>>) target_semaphore(%dma_start3A_651 : memref<!tpu.dma_semaphore, #tpu.memory_space<semaphore_mem>>)
      %dma_wait3A_658 = arith.constant 2 : i32
      %dma_wait3A_659 = arith.constant 2 : i32
      %dma_wait3A_660 = arith.constant 2 : i32
      %dma_wait3A_661 = arith.constant 0 : i32
      %dma_wait3A_662 = arith.constant 0 : i32
      %dma_wait3A_663 = tpu.memref_slice %arg11[%dma_wait3A_659, %dma_wait3A_661, %dma_wait3A_662] : memref<4x128x64xf32, #tpu.memory_space<vmem>> -> memref<1x128x64xf32, #tpu.memory_space<vmem>>
      %dma_wait3A_664 = tpu.memref_squeeze %dma_wait3A_663 : memref<1x128x64xf32, #tpu.memory_space<vmem>> -> memref<128x64xf32, #tpu.memory_space<vmem>>
      %dma_wait3A_665 = arith.constant 0 : i32
      %dma_wait3A_666 = tpu.memref_slice %arg9[%dma_wait3A_658, %dma_wait3A_665] : memref<4x128xi32, #tpu.memory_space<vmem>> -> memref<1x128xi32, #tpu.memory_space<vmem>>
      %dma_wait3A_667 = tpu.memref_squeeze %dma_wait3A_666 : memref<1x128xi32, #tpu.memory_space<vmem>> -> memref<128xi32, #tpu.memory_space<vmem>>
      %dma_wait3A_668 = arith.constant 0 : i32
      %dma_wait3A_669 = arith.constant 0 : i32
      %dma_wait3A_670 = tpu.memref_slice %arg3[%dma_wait3A_668, %dma_wait3A_669] : memref<16384x64xf32, #tpu.memory_space<hbm>> -> memref<16384x64xf32, #tpu.memory_space<hbm>>
      %dma_wait3A_671 = tpu.memref_slice %arg15[%dma_wait3A_660] : memref<4x!tpu.dma_semaphore, #tpu.memory_space<semaphore_mem>> -> memref<1x!tpu.dma_semaphore, #tpu.memory_space<semaphore_mem>>
      %dma_wait3A_672 = tpu.memref_squeeze %dma_wait3A_671 : memref<1x!tpu.dma_semaphore, #tpu.memory_space<semaphore_mem>> -> memref<!tpu.dma_semaphore, #tpu.memory_space<semaphore_mem>>
      tpu.wait_indirect_dma semaphore(%dma_wait3A_672 : memref<!tpu.dma_semaphore, #tpu.memory_space<semaphore_mem>>) src(%dma_wait3A_670 : memref<16384x64xf32, #tpu.memory_space<hbm>>) dst(%dma_wait3A_664 : memref<128x64xf32, #tpu.memory_space<vmem>>)
      %dma_start3A_673 = arith.constant 2 : i32
      %dma_start3A_674 = arith.constant 2 : i32
      %dma_start3A_675 = arith.constant 0 : i32
      %dma_start3A_676 = arith.constant 0 : i32
      %dma_start3A_677 = tpu.memref_slice %arg11[%dma_start3A_673, %dma_start3A_675, %dma_start3A_676] : memref<4x128x64xf32, #tpu.memory_space<vmem>> -> memref<1x128x64xf32, #tpu.memory_space<vmem>>
      %dma_start3A_678 = tpu.memref_squeeze %dma_start3A_677 : memref<1x128x64xf32, #tpu.memory_space<vmem>> -> memref<128x64xf32, #tpu.memory_space<vmem>>
      %dma_start3A_679 = arith.constant 0 : i32
      %dma_start3A_680 = tpu.memref_slice %arg7[%add3A_626, %dma_start3A_679] : memref<131072x64xf32, #tpu.memory_space<hbm>> -> memref<128x64xf32, #tpu.memory_space<hbm>>
      %dma_start3A_681 = tpu.memref_slice %arg17[%dma_start3A_674] : memref<4x!tpu.dma_semaphore, #tpu.memory_space<semaphore_mem>> -> memref<1x!tpu.dma_semaphore, #tpu.memory_space<semaphore_mem>>
      %dma_start3A_682 = tpu.memref_squeeze %dma_start3A_681 : memref<1x!tpu.dma_semaphore, #tpu.memory_space<semaphore_mem>> -> memref<!tpu.dma_semaphore, #tpu.memory_space<semaphore_mem>>
      %dma_start3A_683 = arith.constant 0 : i32
      %dma_start3A_684 = tpu.memref_slice %arg7[%add3A_626, %dma_start3A_683] : memref<131072x64xf32, #tpu.memory_space<hbm>> -> memref<128x64xf32, #tpu.memory_space<hbm>>
      %dma_start3A_685 = arith.constant 0 : i32
      %dma_start3A_686 = arith.constant 0 : i32
      %dma_start3A_687 = tpu.memref_slice %arg11[%dma_start3A_673, %dma_start3A_685, %dma_start3A_686] : memref<4x128x64xf32, #tpu.memory_space<vmem>> -> memref<1x128x64xf32, #tpu.memory_space<vmem>>
      %dma_start3A_688 = tpu.memref_squeeze %dma_start3A_687 : memref<1x128x64xf32, #tpu.memory_space<vmem>> -> memref<128x64xf32, #tpu.memory_space<vmem>>
      tpu.enqueue_dma source(%dma_start3A_688 : memref<128x64xf32, #tpu.memory_space<vmem>>) target(%dma_start3A_684 : memref<128x64xf32, #tpu.memory_space<hbm>>) target_semaphore(%dma_start3A_682 : memref<!tpu.dma_semaphore, #tpu.memory_space<semaphore_mem>>)
      %add3A_689 = arith.constant 384 : i32
      %add3A_690 = arith.addi %add3A_140, %add3A_689 : i32
      %dma_wait3A_691 = arith.constant 3 : i32
      %dma_wait3A_692 = arith.constant 3 : i32
      %dma_wait3A_693 = arith.constant 3 : i32
      %dma_wait3A_694 = arith.constant 0 : i32
      %dma_wait3A_695 = arith.constant 0 : i32
      %dma_wait3A_696 = tpu.memref_slice %arg10[%dma_wait3A_692, %dma_wait3A_694, %dma_wait3A_695] : memref<4x128x64xf32, #tpu.memory_space<vmem>> -> memref<1x128x64xf32, #tpu.memory_space<vmem>>
      %dma_wait3A_697 = tpu.memref_squeeze %dma_wait3A_696 : memref<1x128x64xf32, #tpu.memory_space<vmem>> -> memref<128x64xf32, #tpu.memory_space<vmem>>
      %dma_wait3A_698 = arith.constant 0 : i32
      %dma_wait3A_699 = tpu.memref_slice %arg8[%dma_wait3A_691, %dma_wait3A_698] : memref<4x128xi32, #tpu.memory_space<vmem>> -> memref<1x128xi32, #tpu.memory_space<vmem>>
      %dma_wait3A_700 = tpu.memref_squeeze %dma_wait3A_699 : memref<1x128xi32, #tpu.memory_space<vmem>> -> memref<128xi32, #tpu.memory_space<vmem>>
      %dma_wait3A_701 = arith.constant 0 : i32
      %dma_wait3A_702 = arith.constant 0 : i32
      %dma_wait3A_703 = tpu.memref_slice %arg2[%dma_wait3A_701, %dma_wait3A_702] : memref<4096x64xf32, #tpu.memory_space<hbm>> -> memref<4096x64xf32, #tpu.memory_space<hbm>>
      %dma_wait3A_704 = tpu.memref_slice %arg14[%dma_wait3A_693] : memref<4x!tpu.dma_semaphore, #tpu.memory_space<semaphore_mem>> -> memref<1x!tpu.dma_semaphore, #tpu.memory_space<semaphore_mem>>
      %dma_wait3A_705 = tpu.memref_squeeze %dma_wait3A_704 : memref<1x!tpu.dma_semaphore, #tpu.memory_space<semaphore_mem>> -> memref<!tpu.dma_semaphore, #tpu.memory_space<semaphore_mem>>
      tpu.wait_indirect_dma semaphore(%dma_wait3A_705 : memref<!tpu.dma_semaphore, #tpu.memory_space<semaphore_mem>>) src(%dma_wait3A_703 : memref<4096x64xf32, #tpu.memory_space<hbm>>) dst(%dma_wait3A_697 : memref<128x64xf32, #tpu.memory_space<vmem>>)
      %dma_start3A_706 = arith.constant 3 : i32
      %dma_start3A_707 = arith.constant 3 : i32
      %dma_start3A_708 = arith.constant 0 : i32
      %dma_start3A_709 = arith.constant 0 : i32
      %dma_start3A_710 = tpu.memref_slice %arg10[%dma_start3A_706, %dma_start3A_708, %dma_start3A_709] : memref<4x128x64xf32, #tpu.memory_space<vmem>> -> memref<1x128x64xf32, #tpu.memory_space<vmem>>
      %dma_start3A_711 = tpu.memref_squeeze %dma_start3A_710 : memref<1x128x64xf32, #tpu.memory_space<vmem>> -> memref<128x64xf32, #tpu.memory_space<vmem>>
      %dma_start3A_712 = arith.constant 0 : i32
      %dma_start3A_713 = tpu.memref_slice %arg6[%add3A_690, %dma_start3A_712] : memref<131072x64xf32, #tpu.memory_space<hbm>> -> memref<128x64xf32, #tpu.memory_space<hbm>>
      %dma_start3A_714 = tpu.memref_slice %arg16[%dma_start3A_707] : memref<4x!tpu.dma_semaphore, #tpu.memory_space<semaphore_mem>> -> memref<1x!tpu.dma_semaphore, #tpu.memory_space<semaphore_mem>>
      %dma_start3A_715 = tpu.memref_squeeze %dma_start3A_714 : memref<1x!tpu.dma_semaphore, #tpu.memory_space<semaphore_mem>> -> memref<!tpu.dma_semaphore, #tpu.memory_space<semaphore_mem>>
      %dma_start3A_716 = arith.constant 0 : i32
      %dma_start3A_717 = tpu.memref_slice %arg6[%add3A_690, %dma_start3A_716] : memref<131072x64xf32, #tpu.memory_space<hbm>> -> memref<128x64xf32, #tpu.memory_space<hbm>>
      %dma_start3A_718 = arith.constant 0 : i32
      %dma_start3A_719 = arith.constant 0 : i32
      %dma_start3A_720 = tpu.memref_slice %arg10[%dma_start3A_706, %dma_start3A_718, %dma_start3A_719] : memref<4x128x64xf32, #tpu.memory_space<vmem>> -> memref<1x128x64xf32, #tpu.memory_space<vmem>>
      %dma_start3A_721 = tpu.memref_squeeze %dma_start3A_720 : memref<1x128x64xf32, #tpu.memory_space<vmem>> -> memref<128x64xf32, #tpu.memory_space<vmem>>
      tpu.enqueue_dma source(%dma_start3A_721 : memref<128x64xf32, #tpu.memory_space<vmem>>) target(%dma_start3A_717 : memref<128x64xf32, #tpu.memory_space<hbm>>) target_semaphore(%dma_start3A_715 : memref<!tpu.dma_semaphore, #tpu.memory_space<semaphore_mem>>)
      %dma_wait3A_722 = arith.constant 3 : i32
      %dma_wait3A_723 = arith.constant 3 : i32
      %dma_wait3A_724 = arith.constant 3 : i32
      %dma_wait3A_725 = arith.constant 0 : i32
      %dma_wait3A_726 = arith.constant 0 : i32
      %dma_wait3A_727 = tpu.memref_slice %arg11[%dma_wait3A_723, %dma_wait3A_725, %dma_wait3A_726] : memref<4x128x64xf32, #tpu.memory_space<vmem>> -> memref<1x128x64xf32, #tpu.memory_space<vmem>>
      %dma_wait3A_728 = tpu.memref_squeeze %dma_wait3A_727 : memref<1x128x64xf32, #tpu.memory_space<vmem>> -> memref<128x64xf32, #tpu.memory_space<vmem>>
      %dma_wait3A_729 = arith.constant 0 : i32
      %dma_wait3A_730 = tpu.memref_slice %arg9[%dma_wait3A_722, %dma_wait3A_729] : memref<4x128xi32, #tpu.memory_space<vmem>> -> memref<1x128xi32, #tpu.memory_space<vmem>>
      %dma_wait3A_731 = tpu.memref_squeeze %dma_wait3A_730 : memref<1x128xi32, #tpu.memory_space<vmem>> -> memref<128xi32, #tpu.memory_space<vmem>>
      %dma_wait3A_732 = arith.constant 0 : i32
      %dma_wait3A_733 = arith.constant 0 : i32
      %dma_wait3A_734 = tpu.memref_slice %arg3[%dma_wait3A_732, %dma_wait3A_733] : memref<16384x64xf32, #tpu.memory_space<hbm>> -> memref<16384x64xf32, #tpu.memory_space<hbm>>
      %dma_wait3A_735 = tpu.memref_slice %arg15[%dma_wait3A_724] : memref<4x!tpu.dma_semaphore, #tpu.memory_space<semaphore_mem>> -> memref<1x!tpu.dma_semaphore, #tpu.memory_space<semaphore_mem>>
      %dma_wait3A_736 = tpu.memref_squeeze %dma_wait3A_735 : memref<1x!tpu.dma_semaphore, #tpu.memory_space<semaphore_mem>> -> memref<!tpu.dma_semaphore, #tpu.memory_space<semaphore_mem>>
      tpu.wait_indirect_dma semaphore(%dma_wait3A_736 : memref<!tpu.dma_semaphore, #tpu.memory_space<semaphore_mem>>) src(%dma_wait3A_734 : memref<16384x64xf32, #tpu.memory_space<hbm>>) dst(%dma_wait3A_728 : memref<128x64xf32, #tpu.memory_space<vmem>>)
      %dma_start3A_737 = arith.constant 3 : i32
      %dma_start3A_738 = arith.constant 3 : i32
      %dma_start3A_739 = arith.constant 0 : i32
      %dma_start3A_740 = arith.constant 0 : i32
      %dma_start3A_741 = tpu.memref_slice %arg11[%dma_start3A_737, %dma_start3A_739, %dma_start3A_740] : memref<4x128x64xf32, #tpu.memory_space<vmem>> -> memref<1x128x64xf32, #tpu.memory_space<vmem>>
      %dma_start3A_742 = tpu.memref_squeeze %dma_start3A_741 : memref<1x128x64xf32, #tpu.memory_space<vmem>> -> memref<128x64xf32, #tpu.memory_space<vmem>>
      %dma_start3A_743 = arith.constant 0 : i32
      %dma_start3A_744 = tpu.memref_slice %arg7[%add3A_690, %dma_start3A_743] : memref<131072x64xf32, #tpu.memory_space<hbm>> -> memref<128x64xf32, #tpu.memory_space<hbm>>
      %dma_start3A_745 = tpu.memref_slice %arg17[%dma_start3A_738] : memref<4x!tpu.dma_semaphore, #tpu.memory_space<semaphore_mem>> -> memref<1x!tpu.dma_semaphore, #tpu.memory_space<semaphore_mem>>
      %dma_start3A_746 = tpu.memref_squeeze %dma_start3A_745 : memref<1x!tpu.dma_semaphore, #tpu.memory_space<semaphore_mem>> -> memref<!tpu.dma_semaphore, #tpu.memory_space<semaphore_mem>>
      %dma_start3A_747 = arith.constant 0 : i32
      %dma_start3A_748 = tpu.memref_slice %arg7[%add3A_690, %dma_start3A_747] : memref<131072x64xf32, #tpu.memory_space<hbm>> -> memref<128x64xf32, #tpu.memory_space<hbm>>
      %dma_start3A_749 = arith.constant 0 : i32
      %dma_start3A_750 = arith.constant 0 : i32
      %dma_start3A_751 = tpu.memref_slice %arg11[%dma_start3A_737, %dma_start3A_749, %dma_start3A_750] : memref<4x128x64xf32, #tpu.memory_space<vmem>> -> memref<1x128x64xf32, #tpu.memory_space<vmem>>
      %dma_start3A_752 = tpu.memref_squeeze %dma_start3A_751 : memref<1x128x64xf32, #tpu.memory_space<vmem>> -> memref<128x64xf32, #tpu.memory_space<vmem>>
      tpu.enqueue_dma source(%dma_start3A_752 : memref<128x64xf32, #tpu.memory_space<vmem>>) target(%dma_start3A_748 : memref<128x64xf32, #tpu.memory_space<hbm>>) target_semaphore(%dma_start3A_746 : memref<!tpu.dma_semaphore, #tpu.memory_space<semaphore_mem>>)
    }
    %scan3A_7 = arith.constant 8 : i32
    %dma_wait3A = arith.constant 0 : i32
    %dma_wait3A_8 = arith.constant 0 : i32
    %dma_wait3A_9 = arith.constant 0 : i32
    %dma_wait3A_10 = arith.constant 0 : i32
    %dma_wait3A_11 = tpu.memref_slice %arg10[%dma_wait3A, %dma_wait3A_9, %dma_wait3A_10] : memref<4x128x64xf32, #tpu.memory_space<vmem>> -> memref<1x128x64xf32, #tpu.memory_space<vmem>>
    %dma_wait3A_12 = tpu.memref_squeeze %dma_wait3A_11 : memref<1x128x64xf32, #tpu.memory_space<vmem>> -> memref<128x64xf32, #tpu.memory_space<vmem>>
    %dma_wait3A_13 = arith.constant 0 : i32
    %dma_wait3A_14 = tpu.memref_slice %arg6[%mul3A_2, %dma_wait3A_13] : memref<131072x64xf32, #tpu.memory_space<hbm>> -> memref<128x64xf32, #tpu.memory_space<hbm>>
    %dma_wait3A_15 = tpu.memref_slice %arg16[%dma_wait3A_8] : memref<4x!tpu.dma_semaphore, #tpu.memory_space<semaphore_mem>> -> memref<1x!tpu.dma_semaphore, #tpu.memory_space<semaphore_mem>>
    %dma_wait3A_16 = tpu.memref_squeeze %dma_wait3A_15 : memref<1x!tpu.dma_semaphore, #tpu.memory_space<semaphore_mem>> -> memref<!tpu.dma_semaphore, #tpu.memory_space<semaphore_mem>>
    %dma_wait3A_17 = arith.constant 0 : i32
    %dma_wait3A_18 = tpu.memref_slice %arg6[%mul3A_2, %dma_wait3A_17] : memref<131072x64xf32, #tpu.memory_space<hbm>> -> memref<128x64xf32, #tpu.memory_space<hbm>>
    %dma_wait3A_19 = arith.constant 0 : i32
    %dma_wait3A_20 = arith.constant 0 : i32
    %dma_wait3A_21 = tpu.memref_slice %arg10[%dma_wait3A, %dma_wait3A_19, %dma_wait3A_20] : memref<4x128x64xf32, #tpu.memory_space<vmem>> -> memref<1x128x64xf32, #tpu.memory_space<vmem>>
    %dma_wait3A_22 = tpu.memref_squeeze %dma_wait3A_21 : memref<1x128x64xf32, #tpu.memory_space<vmem>> -> memref<128x64xf32, #tpu.memory_space<vmem>>
    tpu.wait_dma2 semaphore(%dma_wait3A_16 : memref<!tpu.dma_semaphore, #tpu.memory_space<semaphore_mem>>) src(%dma_wait3A_22 : memref<128x64xf32, #tpu.memory_space<vmem>>) dst(%dma_wait3A_18 : memref<128x64xf32, #tpu.memory_space<hbm>>)
    %dma_wait3A_23 = arith.constant 0 : i32
    %dma_wait3A_24 = arith.constant 0 : i32
    %dma_wait3A_25 = arith.constant 0 : i32
    %dma_wait3A_26 = arith.constant 0 : i32
    %dma_wait3A_27 = tpu.memref_slice %arg11[%dma_wait3A_23, %dma_wait3A_25, %dma_wait3A_26] : memref<4x128x64xf32, #tpu.memory_space<vmem>> -> memref<1x128x64xf32, #tpu.memory_space<vmem>>
    %dma_wait3A_28 = tpu.memref_squeeze %dma_wait3A_27 : memref<1x128x64xf32, #tpu.memory_space<vmem>> -> memref<128x64xf32, #tpu.memory_space<vmem>>
    %dma_wait3A_29 = arith.constant 0 : i32
    %dma_wait3A_30 = tpu.memref_slice %arg7[%mul3A_2, %dma_wait3A_29] : memref<131072x64xf32, #tpu.memory_space<hbm>> -> memref<128x64xf32, #tpu.memory_space<hbm>>
    %dma_wait3A_31 = tpu.memref_slice %arg17[%dma_wait3A_24] : memref<4x!tpu.dma_semaphore, #tpu.memory_space<semaphore_mem>> -> memref<1x!tpu.dma_semaphore, #tpu.memory_space<semaphore_mem>>
    %dma_wait3A_32 = tpu.memref_squeeze %dma_wait3A_31 : memref<1x!tpu.dma_semaphore, #tpu.memory_space<semaphore_mem>> -> memref<!tpu.dma_semaphore, #tpu.memory_space<semaphore_mem>>
    %dma_wait3A_33 = arith.constant 0 : i32
    %dma_wait3A_34 = tpu.memref_slice %arg7[%mul3A_2, %dma_wait3A_33] : memref<131072x64xf32, #tpu.memory_space<hbm>> -> memref<128x64xf32, #tpu.memory_space<hbm>>
    %dma_wait3A_35 = arith.constant 0 : i32
    %dma_wait3A_36 = arith.constant 0 : i32
    %dma_wait3A_37 = tpu.memref_slice %arg11[%dma_wait3A_23, %dma_wait3A_35, %dma_wait3A_36] : memref<4x128x64xf32, #tpu.memory_space<vmem>> -> memref<1x128x64xf32, #tpu.memory_space<vmem>>
    %dma_wait3A_38 = tpu.memref_squeeze %dma_wait3A_37 : memref<1x128x64xf32, #tpu.memory_space<vmem>> -> memref<128x64xf32, #tpu.memory_space<vmem>>
    tpu.wait_dma2 semaphore(%dma_wait3A_32 : memref<!tpu.dma_semaphore, #tpu.memory_space<semaphore_mem>>) src(%dma_wait3A_38 : memref<128x64xf32, #tpu.memory_space<vmem>>) dst(%dma_wait3A_34 : memref<128x64xf32, #tpu.memory_space<hbm>>)
    %dma_wait3A_39 = arith.constant 1 : i32
    %dma_wait3A_40 = arith.constant 1 : i32
    %dma_wait3A_41 = arith.constant 0 : i32
    %dma_wait3A_42 = arith.constant 0 : i32
    %dma_wait3A_43 = tpu.memref_slice %arg10[%dma_wait3A_39, %dma_wait3A_41, %dma_wait3A_42] : memref<4x128x64xf32, #tpu.memory_space<vmem>> -> memref<1x128x64xf32, #tpu.memory_space<vmem>>
    %dma_wait3A_44 = tpu.memref_squeeze %dma_wait3A_43 : memref<1x128x64xf32, #tpu.memory_space<vmem>> -> memref<128x64xf32, #tpu.memory_space<vmem>>
    %dma_wait3A_45 = arith.constant 0 : i32
    %dma_wait3A_46 = tpu.memref_slice %arg6[%mul3A_2, %dma_wait3A_45] : memref<131072x64xf32, #tpu.memory_space<hbm>> -> memref<128x64xf32, #tpu.memory_space<hbm>>
    %dma_wait3A_47 = tpu.memref_slice %arg16[%dma_wait3A_40] : memref<4x!tpu.dma_semaphore, #tpu.memory_space<semaphore_mem>> -> memref<1x!tpu.dma_semaphore, #tpu.memory_space<semaphore_mem>>
    %dma_wait3A_48 = tpu.memref_squeeze %dma_wait3A_47 : memref<1x!tpu.dma_semaphore, #tpu.memory_space<semaphore_mem>> -> memref<!tpu.dma_semaphore, #tpu.memory_space<semaphore_mem>>
    %dma_wait3A_49 = arith.constant 0 : i32
    %dma_wait3A_50 = tpu.memref_slice %arg6[%mul3A_2, %dma_wait3A_49] : memref<131072x64xf32, #tpu.memory_space<hbm>> -> memref<128x64xf32, #tpu.memory_space<hbm>>
    %dma_wait3A_51 = arith.constant 0 : i32
    %dma_wait3A_52 = arith.constant 0 : i32
    %dma_wait3A_53 = tpu.memref_slice %arg10[%dma_wait3A_39, %dma_wait3A_51, %dma_wait3A_52] : memref<4x128x64xf32, #tpu.memory_space<vmem>> -> memref<1x128x64xf32, #tpu.memory_space<vmem>>
    %dma_wait3A_54 = tpu.memref_squeeze %dma_wait3A_53 : memref<1x128x64xf32, #tpu.memory_space<vmem>> -> memref<128x64xf32, #tpu.memory_space<vmem>>
    tpu.wait_dma2 semaphore(%dma_wait3A_48 : memref<!tpu.dma_semaphore, #tpu.memory_space<semaphore_mem>>) src(%dma_wait3A_54 : memref<128x64xf32, #tpu.memory_space<vmem>>) dst(%dma_wait3A_50 : memref<128x64xf32, #tpu.memory_space<hbm>>)
    %dma_wait3A_55 = arith.constant 1 : i32
    %dma_wait3A_56 = arith.constant 1 : i32
    %dma_wait3A_57 = arith.constant 0 : i32
    %dma_wait3A_58 = arith.constant 0 : i32
    %dma_wait3A_59 = tpu.memref_slice %arg11[%dma_wait3A_55, %dma_wait3A_57, %dma_wait3A_58] : memref<4x128x64xf32, #tpu.memory_space<vmem>> -> memref<1x128x64xf32, #tpu.memory_space<vmem>>
    %dma_wait3A_60 = tpu.memref_squeeze %dma_wait3A_59 : memref<1x128x64xf32, #tpu.memory_space<vmem>> -> memref<128x64xf32, #tpu.memory_space<vmem>>
    %dma_wait3A_61 = arith.constant 0 : i32
    %dma_wait3A_62 = tpu.memref_slice %arg7[%mul3A_2, %dma_wait3A_61] : memref<131072x64xf32, #tpu.memory_space<hbm>> -> memref<128x64xf32, #tpu.memory_space<hbm>>
    %dma_wait3A_63 = tpu.memref_slice %arg17[%dma_wait3A_56] : memref<4x!tpu.dma_semaphore, #tpu.memory_space<semaphore_mem>> -> memref<1x!tpu.dma_semaphore, #tpu.memory_space<semaphore_mem>>
    %dma_wait3A_64 = tpu.memref_squeeze %dma_wait3A_63 : memref<1x!tpu.dma_semaphore, #tpu.memory_space<semaphore_mem>> -> memref<!tpu.dma_semaphore, #tpu.memory_space<semaphore_mem>>
    %dma_wait3A_65 = arith.constant 0 : i32
    %dma_wait3A_66 = tpu.memref_slice %arg7[%mul3A_2, %dma_wait3A_65] : memref<131072x64xf32, #tpu.memory_space<hbm>> -> memref<128x64xf32, #tpu.memory_space<hbm>>
    %dma_wait3A_67 = arith.constant 0 : i32
    %dma_wait3A_68 = arith.constant 0 : i32
    %dma_wait3A_69 = tpu.memref_slice %arg11[%dma_wait3A_55, %dma_wait3A_67, %dma_wait3A_68] : memref<4x128x64xf32, #tpu.memory_space<vmem>> -> memref<1x128x64xf32, #tpu.memory_space<vmem>>
    %dma_wait3A_70 = tpu.memref_squeeze %dma_wait3A_69 : memref<1x128x64xf32, #tpu.memory_space<vmem>> -> memref<128x64xf32, #tpu.memory_space<vmem>>
    tpu.wait_dma2 semaphore(%dma_wait3A_64 : memref<!tpu.dma_semaphore, #tpu.memory_space<semaphore_mem>>) src(%dma_wait3A_70 : memref<128x64xf32, #tpu.memory_space<vmem>>) dst(%dma_wait3A_66 : memref<128x64xf32, #tpu.memory_space<hbm>>)
    %dma_wait3A_71 = arith.constant 2 : i32
    %dma_wait3A_72 = arith.constant 2 : i32
    %dma_wait3A_73 = arith.constant 0 : i32
    %dma_wait3A_74 = arith.constant 0 : i32
    %dma_wait3A_75 = tpu.memref_slice %arg10[%dma_wait3A_71, %dma_wait3A_73, %dma_wait3A_74] : memref<4x128x64xf32, #tpu.memory_space<vmem>> -> memref<1x128x64xf32, #tpu.memory_space<vmem>>
    %dma_wait3A_76 = tpu.memref_squeeze %dma_wait3A_75 : memref<1x128x64xf32, #tpu.memory_space<vmem>> -> memref<128x64xf32, #tpu.memory_space<vmem>>
    %dma_wait3A_77 = arith.constant 0 : i32
    %dma_wait3A_78 = tpu.memref_slice %arg6[%mul3A_2, %dma_wait3A_77] : memref<131072x64xf32, #tpu.memory_space<hbm>> -> memref<128x64xf32, #tpu.memory_space<hbm>>
    %dma_wait3A_79 = tpu.memref_slice %arg16[%dma_wait3A_72] : memref<4x!tpu.dma_semaphore, #tpu.memory_space<semaphore_mem>> -> memref<1x!tpu.dma_semaphore, #tpu.memory_space<semaphore_mem>>
    %dma_wait3A_80 = tpu.memref_squeeze %dma_wait3A_79 : memref<1x!tpu.dma_semaphore, #tpu.memory_space<semaphore_mem>> -> memref<!tpu.dma_semaphore, #tpu.memory_space<semaphore_mem>>
    %dma_wait3A_81 = arith.constant 0 : i32
    %dma_wait3A_82 = tpu.memref_slice %arg6[%mul3A_2, %dma_wait3A_81] : memref<131072x64xf32, #tpu.memory_space<hbm>> -> memref<128x64xf32, #tpu.memory_space<hbm>>
    %dma_wait3A_83 = arith.constant 0 : i32
    %dma_wait3A_84 = arith.constant 0 : i32
    %dma_wait3A_85 = tpu.memref_slice %arg10[%dma_wait3A_71, %dma_wait3A_83, %dma_wait3A_84] : memref<4x128x64xf32, #tpu.memory_space<vmem>> -> memref<1x128x64xf32, #tpu.memory_space<vmem>>
    %dma_wait3A_86 = tpu.memref_squeeze %dma_wait3A_85 : memref<1x128x64xf32, #tpu.memory_space<vmem>> -> memref<128x64xf32, #tpu.memory_space<vmem>>
    tpu.wait_dma2 semaphore(%dma_wait3A_80 : memref<!tpu.dma_semaphore, #tpu.memory_space<semaphore_mem>>) src(%dma_wait3A_86 : memref<128x64xf32, #tpu.memory_space<vmem>>) dst(%dma_wait3A_82 : memref<128x64xf32, #tpu.memory_space<hbm>>)
    %dma_wait3A_87 = arith.constant 2 : i32
    %dma_wait3A_88 = arith.constant 2 : i32
    %dma_wait3A_89 = arith.constant 0 : i32
    %dma_wait3A_90 = arith.constant 0 : i32
    %dma_wait3A_91 = tpu.memref_slice %arg11[%dma_wait3A_87, %dma_wait3A_89, %dma_wait3A_90] : memref<4x128x64xf32, #tpu.memory_space<vmem>> -> memref<1x128x64xf32, #tpu.memory_space<vmem>>
    %dma_wait3A_92 = tpu.memref_squeeze %dma_wait3A_91 : memref<1x128x64xf32, #tpu.memory_space<vmem>> -> memref<128x64xf32, #tpu.memory_space<vmem>>
    %dma_wait3A_93 = arith.constant 0 : i32
    %dma_wait3A_94 = tpu.memref_slice %arg7[%mul3A_2, %dma_wait3A_93] : memref<131072x64xf32, #tpu.memory_space<hbm>> -> memref<128x64xf32, #tpu.memory_space<hbm>>
    %dma_wait3A_95 = tpu.memref_slice %arg17[%dma_wait3A_88] : memref<4x!tpu.dma_semaphore, #tpu.memory_space<semaphore_mem>> -> memref<1x!tpu.dma_semaphore, #tpu.memory_space<semaphore_mem>>
    %dma_wait3A_96 = tpu.memref_squeeze %dma_wait3A_95 : memref<1x!tpu.dma_semaphore, #tpu.memory_space<semaphore_mem>> -> memref<!tpu.dma_semaphore, #tpu.memory_space<semaphore_mem>>
    %dma_wait3A_97 = arith.constant 0 : i32
    %dma_wait3A_98 = tpu.memref_slice %arg7[%mul3A_2, %dma_wait3A_97] : memref<131072x64xf32, #tpu.memory_space<hbm>> -> memref<128x64xf32, #tpu.memory_space<hbm>>
    %dma_wait3A_99 = arith.constant 0 : i32
    %dma_wait3A_100 = arith.constant 0 : i32
    %dma_wait3A_101 = tpu.memref_slice %arg11[%dma_wait3A_87, %dma_wait3A_99, %dma_wait3A_100] : memref<4x128x64xf32, #tpu.memory_space<vmem>> -> memref<1x128x64xf32, #tpu.memory_space<vmem>>
    %dma_wait3A_102 = tpu.memref_squeeze %dma_wait3A_101 : memref<1x128x64xf32, #tpu.memory_space<vmem>> -> memref<128x64xf32, #tpu.memory_space<vmem>>
    tpu.wait_dma2 semaphore(%dma_wait3A_96 : memref<!tpu.dma_semaphore, #tpu.memory_space<semaphore_mem>>) src(%dma_wait3A_102 : memref<128x64xf32, #tpu.memory_space<vmem>>) dst(%dma_wait3A_98 : memref<128x64xf32, #tpu.memory_space<hbm>>)
    %dma_wait3A_103 = arith.constant 3 : i32
    %dma_wait3A_104 = arith.constant 3 : i32
    %dma_wait3A_105 = arith.constant 0 : i32
    %dma_wait3A_106 = arith.constant 0 : i32
    %dma_wait3A_107 = tpu.memref_slice %arg10[%dma_wait3A_103, %dma_wait3A_105, %dma_wait3A_106] : memref<4x128x64xf32, #tpu.memory_space<vmem>> -> memref<1x128x64xf32, #tpu.memory_space<vmem>>
    %dma_wait3A_108 = tpu.memref_squeeze %dma_wait3A_107 : memref<1x128x64xf32, #tpu.memory_space<vmem>> -> memref<128x64xf32, #tpu.memory_space<vmem>>
    %dma_wait3A_109 = arith.constant 0 : i32
    %dma_wait3A_110 = tpu.memref_slice %arg6[%mul3A_2, %dma_wait3A_109] : memref<131072x64xf32, #tpu.memory_space<hbm>> -> memref<128x64xf32, #tpu.memory_space<hbm>>
    %dma_wait3A_111 = tpu.memref_slice %arg16[%dma_wait3A_104] : memref<4x!tpu.dma_semaphore, #tpu.memory_space<semaphore_mem>> -> memref<1x!tpu.dma_semaphore, #tpu.memory_space<semaphore_mem>>
    %dma_wait3A_112 = tpu.memref_squeeze %dma_wait3A_111 : memref<1x!tpu.dma_semaphore, #tpu.memory_space<semaphore_mem>> -> memref<!tpu.dma_semaphore, #tpu.memory_space<semaphore_mem>>
    %dma_wait3A_113 = arith.constant 0 : i32
    %dma_wait3A_114 = tpu.memref_slice %arg6[%mul3A_2, %dma_wait3A_113] : memref<131072x64xf32, #tpu.memory_space<hbm>> -> memref<128x64xf32, #tpu.memory_space<hbm>>
    %dma_wait3A_115 = arith.constant 0 : i32
    %dma_wait3A_116 = arith.constant 0 : i32
    %dma_wait3A_117 = tpu.memref_slice %arg10[%dma_wait3A_103, %dma_wait3A_115, %dma_wait3A_116] : memref<4x128x64xf32, #tpu.memory_space<vmem>> -> memref<1x128x64xf32, #tpu.memory_space<vmem>>
    %dma_wait3A_118 = tpu.memref_squeeze %dma_wait3A_117 : memref<1x128x64xf32, #tpu.memory_space<vmem>> -> memref<128x64xf32, #tpu.memory_space<vmem>>
    tpu.wait_dma2 semaphore(%dma_wait3A_112 : memref<!tpu.dma_semaphore, #tpu.memory_space<semaphore_mem>>) src(%dma_wait3A_118 : memref<128x64xf32, #tpu.memory_space<vmem>>) dst(%dma_wait3A_114 : memref<128x64xf32, #tpu.memory_space<hbm>>)
    %dma_wait3A_119 = arith.constant 3 : i32
    %dma_wait3A_120 = arith.constant 3 : i32
    %dma_wait3A_121 = arith.constant 0 : i32
    %dma_wait3A_122 = arith.constant 0 : i32
    %dma_wait3A_123 = tpu.memref_slice %arg11[%dma_wait3A_119, %dma_wait3A_121, %dma_wait3A_122] : memref<4x128x64xf32, #tpu.memory_space<vmem>> -> memref<1x128x64xf32, #tpu.memory_space<vmem>>
    %dma_wait3A_124 = tpu.memref_squeeze %dma_wait3A_123 : memref<1x128x64xf32, #tpu.memory_space<vmem>> -> memref<128x64xf32, #tpu.memory_space<vmem>>
    %dma_wait3A_125 = arith.constant 0 : i32
    %dma_wait3A_126 = tpu.memref_slice %arg7[%mul3A_2, %dma_wait3A_125] : memref<131072x64xf32, #tpu.memory_space<hbm>> -> memref<128x64xf32, #tpu.memory_space<hbm>>
    %dma_wait3A_127 = tpu.memref_slice %arg17[%dma_wait3A_120] : memref<4x!tpu.dma_semaphore, #tpu.memory_space<semaphore_mem>> -> memref<1x!tpu.dma_semaphore, #tpu.memory_space<semaphore_mem>>
    %dma_wait3A_128 = tpu.memref_squeeze %dma_wait3A_127 : memref<1x!tpu.dma_semaphore, #tpu.memory_space<semaphore_mem>> -> memref<!tpu.dma_semaphore, #tpu.memory_space<semaphore_mem>>
    %dma_wait3A_129 = arith.constant 0 : i32
    %dma_wait3A_130 = tpu.memref_slice %arg7[%mul3A_2, %dma_wait3A_129] : memref<131072x64xf32, #tpu.memory_space<hbm>> -> memref<128x64xf32, #tpu.memory_space<hbm>>
    %dma_wait3A_131 = arith.constant 0 : i32
    %dma_wait3A_132 = arith.constant 0 : i32
    %dma_wait3A_133 = tpu.memref_slice %arg11[%dma_wait3A_119, %dma_wait3A_131, %dma_wait3A_132] : memref<4x128x64xf32, #tpu.memory_space<vmem>> -> memref<1x128x64xf32, #tpu.memory_space<vmem>>
    %dma_wait3A_134 = tpu.memref_squeeze %dma_wait3A_133 : memref<1x128x64xf32, #tpu.memory_space<vmem>> -> memref<128x64xf32, #tpu.memory_space<vmem>>
    tpu.wait_dma2 semaphore(%dma_wait3A_128 : memref<!tpu.dma_semaphore, #tpu.memory_space<semaphore_mem>>) src(%dma_wait3A_134 : memref<128x64xf32, #tpu.memory_space<vmem>>) dst(%dma_wait3A_130 : memref<128x64xf32, #tpu.memory_space<hbm>>)
    return
  }
}

module attributes {stable_mosaic.version = 14 : i64} {
  func.func @_tc_body(%arg0: i32, %arg1: i32, %arg2: memref<512x1024xf32, #tpu.memory_space<vmem>>, %arg3: memref<512x1024xf32, #tpu.memory_space<vmem>>, %arg4: memref<512x1024xf32, #tpu.memory_space<vmem>>, %arg5: memref<512x1024xf32, #tpu.memory_space<vmem>>, %arg6: memref<1024x4096xbf16, #tpu.memory_space<vmem>>, %arg7: memref<1x4096xf32, #tpu.memory_space<vmem>>, %arg8: memref<4096x1024xbf16, #tpu.memory_space<vmem>>, %arg9: memref<1x1024xf32, #tpu.memory_space<vmem>>, %arg10: memref<1x1024xf32, #tpu.memory_space<vmem>>, %arg11: memref<1x1024xf32, #tpu.memory_space<vmem>>, %arg12: memref<512x1024xf32, #tpu.memory_space<vmem>>) attributes {dimension_semantics = [#tpu.dimension_semantics<arbitrary>, #tpu.dimension_semantics<arbitrary>], iteration_bounds = array<i64: 4, 4>, scalar_prefetch = 0 : i64, scratch_operands = 0 : i64, tpu.core_type = #tpu.core_type<tc>, window_params = [{transform_indices = @transform_0, window_bounds = array<i64: 512, 1024>}, {transform_indices = @transform_1, window_bounds = array<i64: 512, 1024>}, {transform_indices = @transform_2, window_bounds = array<i64: 512, 1024>}, {transform_indices = @transform_3, window_bounds = array<i64: 512, 1024>}, {pipeline_mode = #tpu.pipeline_mode<synchronous>, transform_indices = @transform_4, window_bounds = array<i64: 1024, 4096>}, {pipeline_mode = #tpu.pipeline_mode<synchronous>, transform_indices = @transform_5, window_bounds = array<i64: 1, 4096>}, {pipeline_mode = #tpu.pipeline_mode<synchronous>, transform_indices = @transform_6, window_bounds = array<i64: 4096, 1024>}, {pipeline_mode = #tpu.pipeline_mode<synchronous>, transform_indices = @transform_7, window_bounds = array<i64: 1, 1024>}, {pipeline_mode = #tpu.pipeline_mode<synchronous>, transform_indices = @transform_8, window_bounds = array<i64: 1, 1024>}, {pipeline_mode = #tpu.pipeline_mode<synchronous>, transform_indices = @transform_9, window_bounds = array<i64: 1, 1024>}, {transform_indices = @transform_10, window_bounds = array<i64: 512, 1024>}]} {
    %get3A = arith.constant 0 : index
    %get3A_0 = arith.constant 0 : index
    %get3A_1 = vector.load %arg2[%get3A, %get3A_0] : memref<512x1024xf32, #tpu.memory_space<vmem>>, vector<512x1024xf32>
    %get3A_2 = arith.constant 0 : index
    %get3A_3 = arith.constant 0 : index
    %get3A_4 = vector.load %arg3[%get3A_2, %get3A_3] : memref<512x1024xf32, #tpu.memory_space<vmem>>, vector<512x1024xf32>
    %add3A = arith.addf %get3A_1, %get3A_4 : vector<512x1024xf32>
    %convert_element_type3A = arith.truncf %add3A : vector<512x1024xf32> to vector<512x1024xbf16>
    %get3A_5 = arith.constant 0 : index
    %get3A_6 = arith.constant 0 : index
    %get3A_7 = vector.load %arg6[%get3A_5, %get3A_6] : memref<1024x4096xbf16, #tpu.memory_space<vmem>>, vector<1024x4096xbf16>
    %dot_general3A = arith.constant dense<0.000000e+00> : vector<512x4096xf32>
    %dot_general3A_8 = tpu.matmul %convert_element_type3A, %get3A_7, %dot_general3A {dimension_numbers = #tpu.dot_dimension_numbers<[1], [0], [0], [1], [0, 0, 1, 1], [], []>, transpose_lhs_hint = false} : vector<512x1024xbf16>, vector<1024x4096xbf16>, vector<512x4096xf32> -> vector<512x4096xf32>
    %get3A_9 = arith.constant 0 : index
    %get3A_10 = arith.constant 0 : index
    %get3A_11 = vector.load %arg7[%get3A_9, %get3A_10] : memref<1x4096xf32, #tpu.memory_space<vmem>>, vector<1x4096xf32>
    %add3A_12 = vector.broadcast %get3A_11 : vector<1x4096xf32> to vector<512x4096xf32>
    %add3A_13 = arith.addf %dot_general3A_8, %add3A_12 : vector<512x4096xf32>
    %max3A = arith.constant 0.000000e+00 : f32
    %max3A_14 = vector.broadcast %max3A : f32 to vector<512x4096xf32>
    %max3A_15 = arith.maximumf %add3A_13, %max3A_14 : vector<512x4096xf32>
    %convert_element_type3A_16 = arith.truncf %max3A_15 : vector<512x4096xf32> to vector<512x4096xbf16>
    %get3A_17 = arith.constant 0 : index
    %get3A_18 = arith.constant 0 : index
    %get3A_19 = vector.load %arg8[%get3A_17, %get3A_18] : memref<4096x1024xbf16, #tpu.memory_space<vmem>>, vector<4096x1024xbf16>
    %dot_general3A_20 = arith.constant dense<0.000000e+00> : vector<512x1024xf32>
    %dot_general3A_21 = tpu.matmul %convert_element_type3A_16, %get3A_19, %dot_general3A_20 {dimension_numbers = #tpu.dot_dimension_numbers<[1], [0], [0], [1], [0, 0, 1, 1], [], []>, transpose_lhs_hint = false} : vector<512x4096xbf16>, vector<4096x1024xbf16>, vector<512x1024xf32> -> vector<512x1024xf32>
    %get3A_22 = arith.constant 0 : index
    %get3A_23 = arith.constant 0 : index
    %get3A_24 = vector.load %arg4[%get3A_22, %get3A_23] : memref<512x1024xf32, #tpu.memory_space<vmem>>, vector<512x1024xf32>
    %get3A_25 = arith.constant 0 : index
    %get3A_26 = arith.constant 0 : index
    %get3A_27 = vector.load %arg5[%get3A_25, %get3A_26] : memref<512x1024xf32, #tpu.memory_space<vmem>>, vector<512x1024xf32>
    %add3A_28 = arith.addf %get3A_24, %get3A_27 : vector<512x1024xf32>
    %get3A_29 = arith.constant 0 : index
    %get3A_30 = arith.constant 0 : index
    %get3A_31 = vector.load %arg9[%get3A_29, %get3A_30] : memref<1x1024xf32, #tpu.memory_space<vmem>>, vector<1x1024xf32>
    %add3A_32 = vector.broadcast %get3A_31 : vector<1x1024xf32> to vector<512x1024xf32>
    %add3A_33 = arith.addf %dot_general3A_21, %add3A_32 : vector<512x1024xf32>
    %add3A_34 = arith.addf %add3A_28, %add3A_33 : vector<512x1024xf32>
    %reduce_sum3A = arith.constant dense<0.000000e+00> : vector<512xf32>
    %reduce_sum3A_35 = vector.multi_reduction <add>, %add3A_34, %reduce_sum3A [1] : vector<512x1024xf32> to vector<512xf32>
    %broadcast_in_dim3A = vector.shape_cast %reduce_sum3A_35 : vector<512xf32> to vector<512x1xf32>
    %div3A = arith.constant 1.024000e+03 : f32
    %div3A_36 = vector.broadcast %div3A : f32 to vector<512x1xf32>
    %div3A_37 = arith.divf %broadcast_in_dim3A, %div3A_36 : vector<512x1xf32>
    %sub3A = vector.broadcast %div3A_37 : vector<512x1xf32> to vector<512x1024xf32>
    %sub3A_38 = arith.subf %add3A_34, %sub3A : vector<512x1024xf32>
    %mul3A = arith.mulf %sub3A_38, %sub3A_38 : vector<512x1024xf32>
    %reduce_sum3A_39 = arith.constant dense<0.000000e+00> : vector<512xf32>
    %reduce_sum3A_40 = vector.multi_reduction <add>, %mul3A, %reduce_sum3A_39 [1] : vector<512x1024xf32> to vector<512xf32>
    %broadcast_in_dim3A_41 = vector.shape_cast %reduce_sum3A_40 : vector<512xf32> to vector<512x1xf32>
    %div3A_42 = arith.constant 1.024000e+03 : f32
    %div3A_43 = vector.broadcast %div3A_42 : f32 to vector<512x1xf32>
    %div3A_44 = arith.divf %broadcast_in_dim3A_41, %div3A_43 : vector<512x1xf32>
    %add3A_45 = arith.constant 9.99999996E-13 : f32
    %add3A_46 = vector.broadcast %add3A_45 : f32 to vector<512x1xf32>
    %add3A_47 = arith.addf %div3A_44, %add3A_46 : vector<512x1xf32>
    %rsqrt3A = math.rsqrt %add3A_47 : vector<512x1xf32>
    %mul3A_48 = vector.broadcast %rsqrt3A : vector<512x1xf32> to vector<512x1024xf32>
    %mul3A_49 = arith.mulf %sub3A_38, %mul3A_48 : vector<512x1024xf32>
    %get3A_50 = arith.constant 0 : index
    %get3A_51 = arith.constant 0 : index
    %get3A_52 = vector.load %arg10[%get3A_50, %get3A_51] : memref<1x1024xf32, #tpu.memory_space<vmem>>, vector<1x1024xf32>
    %mul3A_53 = vector.broadcast %get3A_52 : vector<1x1024xf32> to vector<512x1024xf32>
    %mul3A_54 = arith.mulf %mul3A_49, %mul3A_53 : vector<512x1024xf32>
    %get3A_55 = arith.constant 0 : index
    %get3A_56 = arith.constant 0 : index
    %get3A_57 = vector.load %arg11[%get3A_55, %get3A_56] : memref<1x1024xf32, #tpu.memory_space<vmem>>, vector<1x1024xf32>
    %add3A_58 = vector.broadcast %get3A_57 : vector<1x1024xf32> to vector<512x1024xf32>
    %add3A_59 = arith.addf %mul3A_54, %add3A_58 : vector<512x1024xf32>
    %swap3A = arith.constant 0 : index
    %swap3A_60 = arith.constant 0 : index
    %swap3A_61 = vector.load %arg12[%swap3A, %swap3A_60] : memref<512x1024xf32, #tpu.memory_space<vmem>>, vector<512x1024xf32>
    tpu.vector_store %arg12[%swap3A, %swap3A_60], %add3A_59 {strides = array<i32>} : memref<512x1024xf32, #tpu.memory_space<vmem>>, vector<512x1024xf32>,
    return
  }
  func.func @transform_0(%arg0: i32, %arg1: i32) -> (i32, i32) {
    %mul3A = arith.constant 4 : i32
    %mul3A_0 = arith.muli %arg1, %mul3A : i32
    %add3A = arith.addi %mul3A_0, %arg0 : i32
    %c0_i32 = arith.constant 0 : i32
    %c0_i32_1 = arith.constant 0 : i32
    return %add3A, %c0_i32 : i32, i32
  }
  func.func @transform_1(%arg0: i32, %arg1: i32) -> (i32, i32) {
    %mul3A = arith.constant 4 : i32
    %mul3A_0 = arith.muli %arg1, %mul3A : i32
    %add3A = arith.addi %mul3A_0, %arg0 : i32
    %c0_i32 = arith.constant 0 : i32
    %c0_i32_1 = arith.constant 0 : i32
    return %add3A, %c0_i32 : i32, i32
  }
  func.func @transform_2(%arg0: i32, %arg1: i32) -> (i32, i32) {
    %mul3A = arith.constant 4 : i32
    %mul3A_0 = arith.muli %arg1, %mul3A : i32
    %add3A = arith.addi %mul3A_0, %arg0 : i32
    %c0_i32 = arith.constant 0 : i32
    %c0_i32_1 = arith.constant 0 : i32
    return %add3A, %c0_i32 : i32, i32
  }
  func.func @transform_3(%arg0: i32, %arg1: i32) -> (i32, i32) {
    %c0_i32 = arith.constant 0 : i32
    %c0_i32_0 = arith.constant 0 : i32
    return %arg0, %c0_i32 : i32, i32
  }
  func.func @transform_4(%arg0: i32, %arg1: i32) -> (i32, i32) {
    %c0_i32 = arith.constant 0 : i32
    %c0_i32_0 = arith.constant 0 : i32
    %c0_i32_1 = arith.constant 0 : i32
    return %c0_i32, %c0_i32_0 : i32, i32
  }
  func.func @transform_5(%arg0: i32, %arg1: i32) -> (i32, i32) {
    %c0_i32 = arith.constant 0 : i32
    %c0_i32_0 = arith.constant 0 : i32
    %c0_i32_1 = arith.constant 0 : i32
    return %c0_i32, %c0_i32_0 : i32, i32
  }
  func.func @transform_6(%arg0: i32, %arg1: i32) -> (i32, i32) {
    %c0_i32 = arith.constant 0 : i32
    %c0_i32_0 = arith.constant 0 : i32
    %c0_i32_1 = arith.constant 0 : i32
    return %c0_i32, %c0_i32_0 : i32, i32
  }
  func.func @transform_7(%arg0: i32, %arg1: i32) -> (i32, i32) {
    %c0_i32 = arith.constant 0 : i32
    %c0_i32_0 = arith.constant 0 : i32
    %c0_i32_1 = arith.constant 0 : i32
    return %c0_i32, %c0_i32_0 : i32, i32
  }
  func.func @transform_8(%arg0: i32, %arg1: i32) -> (i32, i32) {
    %c0_i32 = arith.constant 0 : i32
    %c0_i32_0 = arith.constant 0 : i32
    %c0_i32_1 = arith.constant 0 : i32
    return %c0_i32, %c0_i32_0 : i32, i32
  }
  func.func @transform_9(%arg0: i32, %arg1: i32) -> (i32, i32) {
    %c0_i32 = arith.constant 0 : i32
    %c0_i32_0 = arith.constant 0 : i32
    %c0_i32_1 = arith.constant 0 : i32
    return %c0_i32, %c0_i32_0 : i32, i32
  }
  func.func @transform_10(%arg0: i32, %arg1: i32) -> (i32, i32) {
    %mul3A = arith.constant 4 : i32
    %mul3A_0 = arith.muli %arg1, %mul3A : i32
    %add3A = arith.addi %mul3A_0, %arg0 : i32
    %c0_i32 = arith.constant 0 : i32
    %c0_i32_1 = arith.constant 0 : i32
    return %add3A, %c0_i32 : i32, i32
  }
}

</mosaic_0001>

<sc_bundles>
// kernel: kernel.4.cloned.1.call-start
scs
__scs_entry_jumppad:
0x0: {  	(pc) =	sbr.rel $0x88, $3  }
0x1: {  	(tag) =	ssettag $0x0;
	lr =	simm.s32 $0x1  }
0x2: {  	[smem:$0x3F95] =	sst lr;
	_ =	strace $0xD0000000  }
0x3: {  	_ = 	snop  }
0x4: {  	_ = 	snop  }
0x5: {  	_ = 	snop  }
0x6: {  	_ = 	snop  }
0x7: {  	_ = 	snop  }
__scs_overlays_trampoline_lowered:
0x8: {  	[smem:$0x3FA4] =	sst s0  }
0x9: {  	[smem:$0x3FA5] =	sst s1  }
0xa: {  	[smem:$0x3FA6] =	sst s2  }
0xb: {  	[smem:$0x3FA7] =	sst s3  }
0xc: {  	[smem:$0x3FA8] =	sst s4  }
0xd: {  	[smem:$0x3FA9] =	sst s5  }
0xe: {  	[smem:$0x3FAA] =	sst s6  }
0xf: {  	[smem:$0x3FAB] =	sst s7  }
0x10: {  	[smem:$0x3FAC] =	sst s8  }
0x11: {  	[smem:$0x3FAD] =	sst s9;
	s0 =	simm.s32 @!p0 $0x0  }
0x12: {  	s1 =	sld [smem:$0x3F93];
	s0 =	simm.s32 @p0 $0x1  }
0x13: {  	[smem:$0x3FAE] =	sst s0;
	s0 =	simm.s32 @!p1 $0x0  }
0x14: {  	s2 =	sld [smem:$0x3F92];
	s0 =	simm.s32 @p1 $0x1  }
0x15: {  	[smem:$0x3FAF] =	sst s0;
	s0 =	simm.s32 @!p2 $0x0  }
0x16: {  	s3 =	sld [smem:$0x3FDB];
	s0 =	simm.s32 @p2 $0x1  }
0x17: {  	s4 =	simm.s32 $0x1BF5;
	[smem:$0x3FB1] =	sst s0  }
0x18: {  	s0 =	sld [smem:$0x3F94];
	_ =	swait.ge [sflag:s4], $0x0  }
0x19: {  	s7 =	sld [smem:$0x3F95]  }
0x1a: {  	s8 =	sadd.s32 $0xFFFFE003, lr  }
0x1b: {  	s9 =	sadd.s32 $0xFFFFFEF7, lr;
	s5 =	simm.s32 $0xFFFFFFFF;
	p2 =	slt.u32 s8, $0xFFFFF086  }
0x1c: {  	p1 =	slt.u32 s9, $0xF7A;
	s5 =	simm.s32 @!p2 $0x0  }
0x1d: {  	s5 =	simm.s32 @p1 $0x1;
	p0 =	seq.s32 s7, s2  }
0x1e: {  	s7 =	smul.u32 @!p0 $0xF7A, s2;
	p2 =	seq.s32 @!p0 s5, $0x0  }
0x1f: {  	s9 =	smul.u32 $0xF7A, s1;
	s8 =	simm.s32 @!p0 $0x1BF5;
	p2 =	por !p2, p0  }
0x20: {  	[sflag:s8] =	ssyncset.s32 @!p0 $0xFFFFF086;
	s6 =	sadd.s32 @!p0 s3, s7;
	s7 =	simm.s32 @!p0 $0x108  }
0x21: {  	s3 =	sadd.s32 s3, s9;
	s6 =	sadd.s32 @!p0 $0x88, s6;
	s7 =	simm.s32 @p2 $0x1082  }
0x22: {  	[simem:s7], [sflag:s8] =	dma.local @!p0 [hbm:s6], $0xF7A  }
0x23: {  	s9 =	sor.u32 $0xD0000000, s2;
	s6 =	simm.s32 $0x108;
	_ =	swait.ge @!p0 [sflag:s8], $0x0  }
0x24: {  	s3 =	sadd.s32 $0x88, s3;
	s6 =	simm.s32 @!p1 $0x1082;
	[sflag:s4] =	ssyncset.s32 $0xFFFFF086  }
0x25: {  	[simem:s6], [sflag:s4] =	dma.local [hbm:s3], $0xF7A  }
0x26: {  	[smem:$0x3F95] =	sst s1;
	(tag) =	ssettag s2;
	_ =	strace s9  }
0x27: {  	s1 =	sld [smem:$0x3FA5]  }
0x28: {  	s2 =	sld [smem:$0x3FA6]  }
0x29: {  	s4 =	sld [smem:$0x3FA8]  }
0x2a: {  	p0 =	seq.s32 s5, $0x0;
	s5 =	sld [smem:$0x3FA9]  }
0x2b: {  	s6 =	sld [smem:$0x3FAA]  }
0x2c: {  	s7 =	sld [smem:$0x3FAB]  }
0x2d: {  	s3 =	simm.s32 $0x108;
	s8 =	sld [smem:$0x3FAC]  }
0x2e: {  	s3 =	simm.s32 @!p0 $0x1082;
	s9 =	sld [smem:$0x3FAD]  }
0x2f: {  	lr =	sadd.s32 s0, s3;
	s0 =	sld [smem:$0x3FA4]  }
0x30: {  	s3 =	sld [smem:$0x3FA7]  }
0x31: {  	[smem:$0x3FB0] =	sst s10  }
0x32: {  	s10 =	sld [smem:$0x3FAE];
	_ =	sdelay $0x3  }
0x33: {  	p0 =	seq.s32 s10, $0x1;
	s10 =	sld [smem:$0x3FB0];
	_ =	sdelay $0x3  }
0x34: {  	[smem:$0x3FB0] =	sst s10  }
0x35: {  	s10 =	sld [smem:$0x3FAF];
	_ =	sdelay $0x3  }
0x36: {  	p1 =	seq.s32 s10, $0x1;
	s10 =	sld [smem:$0x3FB0];
	_ =	sdelay $0x3  }
0x37: {  	[smem:$0x3FB0] =	sst s10  }
0x38: {  	s10 =	sld [smem:$0x3FB1]  }
0x39: {  	_ = 	snop;
	(pc) =	sbr.ind lr, $3  }
0x3a: {  	_ = 	snop  }
0x3b: {  	_ = 	snop  }
0x3c: {  	p2 =	seq.s32 s10, $0x1;
	s10 =	sld [smem:$0x3FB0]  }
0x3d: {  	_ =	shalt  }
0x3e: {  	_ =	shalt  }
0x3f: {  	_ =	shalt  }
0x40: {  	_ =	shalt  }
0x41: {  	_ =	shalt  }
0x42: {  	_ =	shalt  }
0x43: {  	_ =	shalt  }
0x44: {  	_ =	shalt  }
0x45: {  	_ =	shalt  }
0x46: {  	_ =	shalt  }
0x47: {  	_ =	shalt  }
0x48: {  	_ =	shalt  }
0x49: {  	_ =	shalt  }
0x4a: {  	_ =	shalt  }
0x4b: {  	_ =	shalt  }
0x4c: {  	_ =	shalt  }
0x4d: {  	_ =	shalt  }
0x4e: {  	_ =	shalt  }
0x4f: {  	_ =	shalt  }
0x50: {  	_ =	shalt  }
0x51: {  	_ =	shalt  }
0x52: {  	_ =	shalt  }
0x53: {  	_ =	shalt  }
0x54: {  	_ =	shalt  }
0x55: {  	_ =	shalt  }
0x56: {  	_ =	shalt  }
0x57: {  	_ =	shalt  }
0x58: {  	_ =	shalt  }
0x59: {  	_ =	shalt  }
0x5a: {  	_ =	shalt  }
0x5b: {  	_ =	shalt  }
0x5c: {  	_ =	shalt  }
0x5d: {  	_ =	shalt  }
0x5e: {  	_ =	shalt  }
0x5f: {  	_ =	shalt  }
0x60: {  	_ =	shalt  }
0x61: {  	_ =	shalt  }
0x62: {  	_ =	shalt  }
0x63: {  	_ =	shalt  }
0x64: {  	_ =	shalt  }
0x65: {  	_ =	shalt  }
0x66: {  	_ =	shalt  }
0x67: {  	_ =	shalt  }
0x68: {  	_ =	shalt  }
0x69: {  	_ =	shalt  }
0x6a: {  	_ =	shalt  }
0x6b: {  	_ =	shalt  }
0x6c: {  	_ =	shalt  }
0x6d: {  	_ =	shalt  }
0x6e: {  	_ =	shalt  }
0x6f: {  	_ =	shalt  }
0x70: {  	_ =	shalt  }
0x71: {  	_ =	shalt  }
0x72: {  	_ =	shalt  }
0x73: {  	_ =	shalt  }
0x74: {  	_ =	shalt  }
0x75: {  	_ =	shalt  }
0x76: {  	_ =	shalt  }
0x77: {  	_ =	shalt  }
0x78: {  	_ =	shalt  }
0x79: {  	_ =	shalt  }
0x7a: {  	_ =	shalt  }
0x7b: {  	_ =	shalt  }
0x7c: {  	_ =	shalt  }
0x7d: {  	_ =	shalt  }
0x7e: {  	_ =	shalt  }
0x7f: {  	_ =	shalt  }
0x80: {  	_ =	shalt  }
0x81: {  	_ =	shalt  }
0x82: {  	_ =	shalt  }
0x83: {  	_ =	shalt  }
0x84: {  	_ =	shalt  }
0x85: {  	_ =	shalt  }
0x86: {  	_ =	shalt  }
0x87: {  	_ =	shalt  }
.Lfunc_end0:
.L_simem_size_0:
called_computation_lowered:
.L_overlay_start_0:
0x88: {  	s2 =	sld [smem:$0x3FD9]  }
0x89: {  	s3 =	sld [smem:$0x3FFE];
	_ =	sdelay $0x1  }
0x8a: {  	s1 =	srdreg.scid  }
0x8b: {  	s0 =	sand.u32 $0x1, s1  }
0x8c: {  	s17 =	sshll.u32 s0, $0xA;
	s2 =	sadd.s32 s3, s2  }
0x8d: {  	s2 =	sadd.s32 s2, s17  }
0x8e: {  	[smem:$0x3FBC] =	sst s2  }
0x8f: {  	_ = 	snop  }
0x90: {  	s2 =	sld [smem:$0x3FD0];
	(tm) =	ssettm $0x1  }
0x91: {  	s18 =	sld [smem:$0x3FFB];
	_ =	sdelay $0x3  }
0x92: {  	_ =	strace s18  }
0x93: {  	s3 =	sld [smem:$0x3FFC];
	_ =	sdelay $0x3  }
0x94: {  	_ =	strace s3  }
0x95: {  	s3 =	sld [smem:$0x3FFD];
	_ =	sdelay $0x3  }
0x96: {  	_ =	strace s3  }
0x97: {  	_ =	strace $0x8FFFFFFF  }
0x98: {  	s19 =	sld [smem:$0x3FDB];
	_ =	sdelay $0x1  }
0x99: {  	s4 =	simm.s32 $_scs_section_size  }
0x9a: {  	s5 =	simm.s32 $_size__tile_overlayer_lowered;
	s6 =	simm.s32 $_tile_overlayer_lowered  }
0x9b: {  	s22 =	simm.s32 $0x1BFF;
	s21 =	sshll.u32 s6, $0x1;
	s3 =	sadd.s32 s4, s19  }
0x9c: {  	s7 =	simm.s32 $0x0;
	s20 =	sshll.u32 s5, $0x1;
	s5 =	sadd.s32 s21, s3  }
0x9d: {  	[timem:s7], [sflag:s22] =	dma.local [hbm:s5], s20  }
0x9e: {  	_ =	swait.ge [sflag:s22], s20  }
0x9f: {  	s4 =	ssub.s32 $0x0, s20;
	[sflag:s22] =	ssyncset.done $0x0  }
0xa0: {  	[sflag:s22] =	ssyncadd.s32 s4;
	_ =	sdelay $0x1  }
0xa1: {  	s23 =	simm.s32 $0x1B8B  }
0xa2: {  	_ =	swait.ge [sflag:s23], $0x1  }
0xa3: {  	[sflag:s23] =	ssyncset.done $0x0  }
0xa4: {  	s25 =	simm.s32 $0x1B8E;
	s24 =	sld [smem:$0x3FFE];
	[sflag:s23] =	ssyncadd.s32 $0xFFFFFFFF  }
0xa5: {  	s26 =	simm.s32 $execute0_lowered;
	[smem:$0x3FD2] =	sst s25  }
0xa6: {  	s5 =	sshll.u32 s26, $0x1;
	_ =	strace $0x80000046;
	[dreg:$0x1] =	wrdreg $0xFFFFFFFF  }
0xa7: {  	s28 =	simm.s32 $_size_execute0_lowered;
	s3 =	sadd.s32 s3, s5;
	[dreg:$0x0] =	wrdreg $0x0  }
0xa8: {  	s5 =	sshll.u32 s28, $0x1;
	[dreg:$0x2] =	wrdreg s3  }
0xa9: {  	[dreg:$0x3] =	wrdreg s5  }
0xaa: {  	[dreg:$0x4] =	wrdreg $0xC0  }
0xab: {  	_ =	task [dreg:s7], $0x5FFFF  }
0xac: {  	[dreg:$0x1] =	wrdreg $0xFFFFFFFF  }
0xad: {  	[dreg:$0x0] =	wrdreg $0x60  }
0xae: {  	[dreg:$0x2] =	wrdreg s24  }
0xaf: {  	[dreg:$0x3] =	wrdreg s2  }
0xb0: {  	[dreg:$0x4] =	wrdreg $0x9  }
0xb1: {  	_ =	task.clear_ibuf [dreg:s7], $0x5FFFF;
	_ =	strace $0x90000046  }
0xb2: {  	s29 =	simm.s32 $0x9;
	_ =	strace $0x80000048  }
0xb3: {  	_ =	swait.ge [sflag:s29], $0x1  }
0xb4: {  	[sflag:s29] =	ssyncadd.s32 $0xFFFFFFFF  }
0xb5: {  	_ =	strace $0x90000048  }
0xb6: {  	_ =	sfence  }
0xb7: {  	s30 =	sld [smem:$0x0];
	_ =	sdelay $0x2  }
0xb8: {  	s31 =	sshll.u32 s1, $0xD;
	s1 =	sshrl.u32 s1, $0x2  }
0xb9: {  	s3 =	sand.u32 $0x4000, s31;
	s1 =	sadd.s32 s1, s30  }
0xba: {  	s0 =	sor.u32 s3, s0;
	s1 =	sshll.u32 s1, $0x11  }
0xbb: {  	s0 =	sor.u32 s1, s0  }
0xbc: {  	s0 =	sadd.s32 $0x8F2B, s0  }
0xbd: {  	[sflag:s0] =	ssyncadd.remote.s32 $0x1  }
0xbe: {  	_ =	sfence.sel $0xFFFF  }
0xbf: {  	[dreg:$0x0] =	wrdreg $0xFFFFFFFF;
	(pc) =	sbr.abs _section_cstart, $3  }
0xc0: {  	[dreg:$0x1] =	wrdreg $0xFFFFFFFF  }
0xc1: {  	_ =	task.clear_ibuf [dreg:s7], $0x2FFFF;
	_ =	strace $0x9FFFFFFF  }
0xc2: {  	(tm) =	ssettm $0x7FFFFFFF  }
0xc3: {  	_ =	shalt  }
tec
execute0_lowered:
.L_overlay_start_1:
0x0: {  	(tag) =	ssettag $0x1  }
0x1: {  	s0 =	rddreg [dreg:$0x0]  }
0x2: {  	s2 =	rddreg [dreg:$0x1]  }
0x3: {  	s1 =	simm.s32 $0x0;
	s3 =	srdreg.scid;
	s8 =	stileid.u32  }
0x4: {  	[smem:$0x7FF] =	sst s1;
	s4 =	sadd.s32 $0xAC00, s0;
	s5 =	sadd.s32 $0x32C00, s0  }
0x5: {  	s6 =	sand.u32 $0x1, s3;
	s18 =	sshll.u32 s8, $0xD;
	s8 =	sshll.u32 s8, $0x10  }
0x6: {  	s23 =	sadd.s32 $0xEC00, s0;
	s3 =	sadd.s32 $0x2C00, s0;
	_ =	strace $0x80000047  }
0x7: {  	s7 =	sshll.u32 s6, $0xC;
	s9 =	sadd.s32 s8, s5;
	s10 =	sshll.u32 s6, $0xF  }
0x8: {  	s8 =	sadd.s32 s8, s2;
	s6 =	ssub.s32 $0x2, s6;
	s19 =	sadd.s32 s10, s9  }
0x9: {  	s7 =	sor.u32 s7, s18;
	s21 =	sadd.s32 s10, s8;
	[dreg:$0x3] =	wrdreg s19  }
0xa: {  	s20 =	sor.u32 $0x180, s7;
	[dreg:$0x4] =	wrdreg s21;
	s29 =	sor.u32 $0x100, s7  }
0xb: {  	s15 =	sor.u32 $0x80, s7;
	s21 =	sshrl.u32 s6, $0x1;
	s22 =	sshll.u32 s20, $0x3  }
0xc: {  	s31 =	sshll.u32 s29, $0x3;
	s13 =	sshrl.u32 s29, $0x3;
	s29 =	simm.s32 $0x2400  }
0xd: {  	s26 =	sshrl.u32 s20, $0x3;
	s24 =	sadd.s32 s22, s2;
	[dreg:$0x16] =	wrdreg s29  }
0xe: {  	s17 =	sshrl.u32 s15, $0x3;
	s25 =	sadd.s32 s22, s5;
	[dreg:$0x5] =	wrdreg s24  }
0xf: {  	s20 =	sshrl.u32 s7, $0x3;
	s28 =	sadd.s32 s26, s23;
	[dreg:$0x6] =	wrdreg s25  }
0x10: {  	s6 =	ssub.s32 s6, s21;
	s30 =	sadd.s32 s26, s4;
	[dreg:$0x7] =	wrdreg s28  }
0x11: {  	s7 =	simm.s32 $0x80;
	s11 =	sadd.s32 s31, s2;
	[dreg:$0x8] =	wrdreg s30  }
0x12: {  	s21 =	simm.s32 $0xA;
	s12 =	sadd.s32 s31, s5;
	[dreg:$0x9] =	wrdreg s11  }
0x13: {  	s14 =	sadd.s32 s13, s23;
	s8 =	sadd.s32 s13, s4;
	[dreg:$0xa] =	wrdreg s12  }
0x14: {  	s18 =	sadd.s32 s17, s23;
	s19 =	sadd.s32 s17, s4;
	[dreg:$0xb] =	wrdreg s14  }
0x15: {  	s22 =	sadd.s32 s20, s23;
	s23 =	sadd.s32 s20, s4;
	[dreg:$0xc] =	wrdreg s8  }
0x16: {  	s4 =	sadd.s32 $0x12C00, s0;
	s26 =	simm.s32 $0x180;
	[dreg:$0xf] =	wrdreg s18  }
0x17: {  	s13 =	simm.s32 $0x2;
	s17 =	simm.s32 $0x4;
	[dreg:$0x10] =	wrdreg s19  }
0x18: {  	s20 =	simm.s32 $0xD;
	s31 =	simm.s32 $0x6400;
	[dreg:$0x11] =	wrdreg s22  }
0x19: {  	s11 =	sshll.u32 s15, $0x3;
	s24 =	smax.u32 s6, $0x1;
	[dreg:$0x12] =	wrdreg s23  }
0x1a: {  	s25 =	simm.s32 $0x100;
	[dreg:$0x14] =	wrdreg s26;
	s15 =	simm.s32 $0x3  }
0x1b: {  	s18 =	simm.s32 $0xE400;
	s28 =	simm.s32 $0x400;
	[dreg:$0x18] =	wrdreg s31  }
0x1c: {  	s19 =	simm.s32 $0x9;
	s22 =	simm.s32 $0xE;
	[dreg:$0x19] =	wrdreg s24  }
0x1d: {  	s23 =	simm.s32 $0xB;
	s30 =	simm.s32 $0x4400;
	[dreg:$0x13] =	wrdreg s25  }
0x1e: {  	s26 =	simm.s32 $0x10;
	s2 =	sadd.s32 s11, s2;
	[dreg:$0x15] =	wrdreg s28  }
0x1f: {  	s16 =	sadd.s32 s11, s5;
	s11 =	simm.s32 $0x1;
	[dreg:$0x17] =	wrdreg s30  }
0x20: {  	s24 =	simm.s32 $0xF;
	s25 =	simm.s32 $0xC;
	[dreg:$0xd] =	wrdreg s2  }
0x21: {  	s5 =	simm.s32 $0x0;
	[dreg:$0xe] =	wrdreg s16;
	s16 =	simm.s32 $0x8400  }
.LBB2_1:
0x22: {  	s0 =	rddreg [dreg:$0x7]  }
0x23: {  	s2 =	rddreg [dreg:$0x12]  }
0x24: {  	s6 =	rddreg [dreg:$0x11]  }
0x25: {  	s28 =	rddreg [dreg:$0xb];
	s2 =	sadd.s32 $0x0, s2  }
0x26: {  	[tilespmem:s1], [sflag:$0x1] =	stream.linear.gather [hbm4b:s2+s1], $0x80, $0x38;
	[tilespmem:$0x10400] =	vst v63  }
0x27: {  	s29 =	rddreg [dreg:$0x10];
	s8 =	sadd.s32 $0x0, s6;
	s6 =	simm.s32 $0x200  }
0x28: {  	[tilespmem:s6], [sflag:$0x5] =	stream.linear.gather [hbm4b:s8+s1], $0x80, $0x38;
	[tilespmem:$0x10400] =	vst v63  }
0x29: {  	s9 =	rddreg [dreg:$0xf];
	s10 =	sadd.s32 $0x0, s29  }
0x2a: {  	[tilespmem:s7], [sflag:$0x2] =	stream.linear.gather [hbm4b:s10+s1], $0x80, $0x38;
	[tilespmem:$0x10400] =	vst v63  }
0x2b: {  	s29 =	rddreg [dreg:$0xc];
	s12 =	sadd.s32 $0x0, s9;
	s8 =	simm.s32 $0x280  }
0x2c: {  	[tilespmem:s8], [sflag:$0x6] =	stream.linear.gather [hbm4b:s12+s1], $0x80, $0x38;
	[tilespmem:$0x10400] =	vst v63  }
0x2d: {  	s14 =	rddreg [dreg:$0x13];
	s9 =	sadd.s32 $0x0, s29  }
0x2e: {  	[tilespmem:s14], [sflag:$0x3] =	stream.linear.gather [hbm4b:s9+s1], $0x80, $0x38;
	[tilespmem:$0x10400] =	vst v63  }
0x2f: {  	s29 =	rddreg [dreg:$0x8];
	s10 =	sadd.s32 $0x0, s28;
	s9 =	simm.s32 $0x300  }
0x30: {  	[tilespmem:s9], [sflag:$0x7] =	stream.linear.gather [hbm4b:s10+s1], $0x80, $0x38;
	[tilespmem:$0x10400] =	vst v63  }
0x31: {  	s12 =	rddreg [dreg:$0x14];
	s14 =	sadd.s32 $0x0, s29  }
0x32: {  	[tilespmem:s12], [sflag:$0x4] =	stream.linear.gather [hbm4b:s14+s1], $0x80, $0x38;
	[tilespmem:$0x10400] =	vst v63  }
0x33: {  	[dreg:$0x1a] =	wrdreg s5;
	s0 =	sadd.s32 $0x0, s0;
	s10 =	simm.s32 $0x380  }
0x34: {  	[tilespmem:s10], [sflag:$0x8] =	stream.linear.gather [hbm4b:s0+s1], $0x80, $0x38;
	[tilespmem:$0x10400] =	vst v63  }
0x35: {  	p0 =	por $0x1, $0x1;
	_ =	swait.ge [sflag:s11], $0x80  }
0x36: {  	s5 =	simm.s32 @p0 $0x400;
	s2 =	simm.s32 @p0 $0x0;
	[sflag:s11] =	ssyncset.done $0x0  }
0x37: {  	s28 =	simm.s32 @p0 $0x5;
	s0 =	simm.s32 @p0 $0x80;
	[sflag:s11] =	ssyncadd.s32 $0xFFFFFF80  }
0x38: {  	[tilespmem:s5], [sflag:$0x9] =	stream.indirect.gather @p0 [hbm4b:s3+s0], $0x40, s2, s0, $0xb8;
	[tilespmem:$0x10400] =	vst v63  }
0x39: {  	_ =	swait.ge @p0 [sflag:s28], $0x80  }
0x3a: {  	[sflag:s28] =	ssyncset.done @p0 $0x0  }
0x3b: {  	s5 =	simm.s32 @!p0 $0x11;
	[sflag:s28] =	ssyncadd.s32 @p0 $0xFFFFFF80  }
0x3c: {  	_ =	swait.ge @!p0 [sflag:s5], $0x2000  }
0x3d: {  	s29 =	simm.s32 @!p0 $0x0;
	s2 =	simm.s32 @!p0 $0x80;
	[sflag:s5] =	ssyncset.done @!p0 $0x0  }
0x3e: {  	s28 =	simm.s32 @!p0 $0x400;
	[sflag:s5] =	ssyncadd.s32 @!p0 $0xFFFFE000;
	s5 =	simm.s32 @!p0 $0x5  }
0x3f: {  	[tilespmem:s28], [sflag:$0x9] =	stream.indirect.gather @!p0 [hbm4b:s3+s2], $0x40, s29, s2, $0xb8;
	[tilespmem:$0x10400] =	vst v63  }
0x40: {  	_ =	swait.ge @!p0 [sflag:s5], $0x80  }
0x41: {  	[sflag:s5] =	ssyncset.done @!p0 $0x0  }
0x42: {  	s28 =	simm.s32 @!p0 $0x15;
	[sflag:s5] =	ssyncadd.s32 @!p0 $0xFFFFFF80  }
0x43: {  	_ =	swait.ge @!p0 [sflag:s28], $0x2000  }
0x44: {  	[sflag:s28] =	ssyncset.done @!p0 $0x0  }
0x45: {  	s12 =	simm.s32 $0x8400;
	[sflag:s28] =	ssyncadd.s32 @!p0 $0xFFFFE000  }
0x46: {  	[tilespmem:s12], [sflag:$0xD] =	stream.indirect.gather [hbm4b:s4+s7], $0x40, s6, s7, $0xb8;
	[tilespmem:$0x10400] =	vst v63  }
0x47: {  	_ =	swait.ge [sflag:s13], $0x80  }
0x48: {  	[sflag:s13] =	ssyncset.done $0x0  }
0x49: {  	s5 =	simm.s32 @p0 $0x2400;
	s28 =	simm.s32 @p0 $0x6;
	[sflag:s13] =	ssyncadd.s32 $0xFFFFFF80  }
0x4a: {  	[tilespmem:s5], [sflag:$0xA] =	stream.indirect.gather @p0 [hbm4b:s3+s0], $0x40, s0, s0, $0xb8;
	[tilespmem:$0x10400] =	vst v63  }
0x4b: {  	_ =	swait.ge @p0 [sflag:s28], $0x80  }
0x4c: {  	[sflag:s28] =	ssyncset.done @p0 $0x0  }
0x4d: {  	s5 =	simm.s32 @!p0 $0x12;
	[sflag:s28] =	ssyncadd.s32 @p0 $0xFFFFFF80  }
0x4e: {  	_ =	swait.ge @!p0 [sflag:s5], $0x2000  }
0x4f: {  	[sflag:s5] =	ssyncset.done @!p0 $0x0  }
0x50: {  	s28 =	simm.s32 @!p0 $0x2400;
	[sflag:s5] =	ssyncadd.s32 @!p0 $0xFFFFE000;
	s5 =	simm.s32 @!p0 $0x6  }
0x51: {  	[tilespmem:s28], [sflag:$0xA] =	stream.indirect.gather @!p0 [hbm4b:s3+s2], $0x40, s2, s2, $0xb8;
	[tilespmem:$0x10400] =	vst v63  }
0x52: {  	_ =	swait.ge @!p0 [sflag:s5], $0x80  }
0x53: {  	[sflag:s5] =	ssyncset.done @!p0 $0x0  }
0x54: {  	s28 =	simm.s32 @!p0 $0x16;
	[sflag:s5] =	ssyncadd.s32 @!p0 $0xFFFFFF80  }
0x55: {  	_ =	swait.ge @!p0 [sflag:s28], $0x2000  }
0x56: {  	[sflag:s28] =	ssyncset.done @!p0 $0x0  }
0x57: {  	s6 =	simm.s32 $0xA400;
	[sflag:s28] =	ssyncadd.s32 @!p0 $0xFFFFE000  }
0x58: {  	[tilespmem:s6], [sflag:$0xE] =	stream.indirect.gather [hbm4b:s4+s7], $0x40, s8, s7, $0xb8;
	[tilespmem:$0x10400] =	vst v63  }
0x59: {  	_ =	swait.ge [sflag:s15], $0x80  }
0x5a: {  	s29 =	simm.s32 @p0 $0x7;
	[sflag:s15] =	ssyncset.done $0x0  }
0x5b: {  	s5 =	simm.s32 @p0 $0x100;
	s28 =	simm.s32 @p0 $0x4400;
	[sflag:s15] =	ssyncadd.s32 $0xFFFFFF80  }
0x5c: {  	[tilespmem:s28], [sflag:$0xB] =	stream.indirect.gather @p0 [hbm4b:s3+s0], $0x40, s5, s0, $0xb8;
	[tilespmem:$0x10400] =	vst v63  }
0x5d: {  	_ =	swait.ge @p0 [sflag:s29], $0x80  }
0x5e: {  	[sflag:s29] =	ssyncset.done @p0 $0x0  }
0x5f: {  	s5 =	simm.s32 @!p0 $0x13;
	[sflag:s29] =	ssyncadd.s32 @p0 $0xFFFFFF80  }
0x60: {  	_ =	swait.ge @!p0 [sflag:s5], $0x2000  }
0x61: {  	s28 =	simm.s32 @!p0 $0x100;
	[sflag:s5] =	ssyncset.done @!p0 $0x0  }
0x62: {  	s29 =	simm.s32 @!p0 $0x4400;
	[sflag:s5] =	ssyncadd.s32 @!p0 $0xFFFFE000;
	s5 =	simm.s32 @!p0 $0x7  }
0x63: {  	[tilespmem:s29], [sflag:$0xB] =	stream.indirect.gather @!p0 [hbm4b:s3+s2], $0x40, s28, s2, $0xb8;
	[tilespmem:$0x10400] =	vst v63  }
0x64: {  	_ =	swait.ge @!p0 [sflag:s5], $0x80  }
0x65: {  	[sflag:s5] =	ssyncset.done @!p0 $0x0  }
0x66: {  	s28 =	simm.s32 @!p0 $0x17;
	[sflag:s5] =	ssyncadd.s32 @!p0 $0xFFFFFF80  }
0x67: {  	_ =	swait.ge @!p0 [sflag:s28], $0x2000  }
0x68: {  	[sflag:s28] =	ssyncset.done @!p0 $0x0  }
0x69: {  	s8 =	simm.s32 $0xC400;
	[sflag:s28] =	ssyncadd.s32 @!p0 $0xFFFFE000  }
0x6a: {  	[tilespmem:s8], [sflag:$0xF] =	stream.indirect.gather [hbm4b:s4+s7], $0x40, s9, s7, $0xb8;
	[tilespmem:$0x10400] =	vst v63  }
0x6b: {  	_ =	swait.ge [sflag:s17], $0x80  }
0x6c: {  	s29 =	simm.s32 @p0 $0x8;
	[sflag:s17] =	ssyncset.done $0x0  }
0x6d: {  	s5 =	simm.s32 @p0 $0x180;
	s28 =	simm.s32 @p0 $0x6400;
	[sflag:s17] =	ssyncadd.s32 $0xFFFFFF80  }
0x6e: {  	[tilespmem:s28], [sflag:$0xC] =	stream.indirect.gather @p0 [hbm4b:s3+s0], $0x40, s5, s0, $0xb8;
	[tilespmem:$0x10400] =	vst v63  }
0x6f: {  	_ =	swait.ge @p0 [sflag:s29], $0x80  }
0x70: {  	[sflag:s29] =	ssyncset.done @p0 $0x0  }
0x71: {  	s0 =	simm.s32 @!p0 $0x14;
	[sflag:s29] =	ssyncadd.s32 @p0 $0xFFFFFF80  }
0x72: {  	_ =	swait.ge @!p0 [sflag:s0], $0x2000  }
0x73: {  	s5 =	simm.s32 @!p0 $0x180;
	[sflag:s0] =	ssyncset.done @!p0 $0x0  }
0x74: {  	s28 =	simm.s32 @!p0 $0x6400;
	[sflag:s0] =	ssyncadd.s32 @!p0 $0xFFFFE000;
	s0 =	simm.s32 @!p0 $0x8  }
0x75: {  	[tilespmem:s28], [sflag:$0xC] =	stream.indirect.gather @!p0 [hbm4b:s3+s2], $0x40, s5, s2, $0xb8;
	[tilespmem:$0x10400] =	vst v63  }
0x76: {  	_ =	swait.ge @!p0 [sflag:s0], $0x80  }
0x77: {  	[sflag:s0] =	ssyncset.done @!p0 $0x0  }
0x78: {  	s2 =	simm.s32 @!p0 $0x18;
	[sflag:s0] =	ssyncadd.s32 @!p0 $0xFFFFFF80  }
0x79: {  	_ =	swait.ge @!p0 [sflag:s2], $0x2000  }
0x7a: {  	[sflag:s2] =	ssyncset.done @!p0 $0x0  }
0x7b: {  	[sflag:s2] =	ssyncadd.s32 @!p0 $0xFFFFE000  }
0x7c: {  	[tilespmem:s18], [sflag:$0x10] =	stream.indirect.gather [hbm4b:s4+s7], $0x40, s10, s7, $0xb8;
	[tilespmem:$0x10400] =	vst v63  }
0x7d: {  	_ =	swait.ge [sflag:s19], $0x2000  }
0x7e: {  	s5 =	rddreg [dreg:$0x4];
	[sflag:s19] =	ssyncset.done $0x0  }
0x7f: {  	s9 =	rddreg [dreg:$0x15];
	[sflag:s19] =	ssyncadd.s32 $0xFFFFE000;
	s0 =	sadd.s32 $0x0, s5  }
0x80: {  	[hbm4b:s0+s1] =	stream.linear.scatter [tilespmem:s9], [sflag:$0x11], $0x2000, $0x38;
	[tilespmem:$0x10400] =	vst v63  }
0x81: {  	_ =	swait.ge [sflag:s20], $0x2000  }
0x82: {  	s10 =	rddreg [dreg:$0x3];
	[sflag:s20] =	ssyncset.done $0x0  }
0x83: {  	[sflag:s20] =	ssyncadd.s32 $0xFFFFE000;
	s0 =	sadd.s32 $0x0, s10  }
0x84: {  	[hbm4b:s0+s1] =	stream.linear.scatter [tilespmem:s12], [sflag:$0x15], $0x2000, $0x38;
	[tilespmem:$0x10400] =	vst v63  }
0x85: {  	_ =	swait.ge [sflag:s21], $0x2000  }
0x86: {  	s12 =	rddreg [dreg:$0xd];
	[sflag:s21] =	ssyncset.done $0x0  }
0x87: {  	s14 =	rddreg [dreg:$0x16];
	[sflag:s21] =	ssyncadd.s32 $0xFFFFE000;
	s0 =	sadd.s32 $0x0, s12  }
0x88: {  	[hbm4b:s0+s1] =	stream.linear.scatter [tilespmem:s14], [sflag:$0x12], $0x2000, $0x38;
	[tilespmem:$0x10400] =	vst v63  }
0x89: {  	_ =	swait.ge [sflag:s22], $0x2000  }
0x8a: {  	s5 =	rddreg [dreg:$0xe];
	[sflag:s22] =	ssyncset.done $0x0  }
0x8b: {  	[sflag:s22] =	ssyncadd.s32 $0xFFFFE000;
	s0 =	sadd.s32 $0x0, s5  }
0x8c: {  	[hbm4b:s0+s1] =	stream.linear.scatter [tilespmem:s6], [sflag:$0x16], $0x2000, $0x38;
	[tilespmem:$0x10400] =	vst v63  }
0x8d: {  	_ =	swait.ge [sflag:s23], $0x2000  }
0x8e: {  	s6 =	rddreg [dreg:$0x9];
	[sflag:s23] =	ssyncset.done $0x0  }
0x8f: {  	s9 =	rddreg [dreg:$0x17];
	[sflag:s23] =	ssyncadd.s32 $0xFFFFE000;
	s0 =	sadd.s32 $0x0, s6  }
0x90: {  	[hbm4b:s0+s1] =	stream.linear.scatter [tilespmem:s9], [sflag:$0x13], $0x2000, $0x38;
	[tilespmem:$0x10400] =	vst v63  }
0x91: {  	_ =	swait.ge [sflag:s24], $0x2000  }
0x92: {  	s10 =	rddreg [dreg:$0xa];
	[sflag:s24] =	ssyncset.done $0x0  }
0x93: {  	[sflag:s24] =	ssyncadd.s32 $0xFFFFE000;
	s0 =	sadd.s32 $0x0, s10  }
0x94: {  	[hbm4b:s0+s1] =	stream.linear.scatter [tilespmem:s8], [sflag:$0x17], $0x2000, $0x38;
	[tilespmem:$0x10400] =	vst v63  }
0x95: {  	_ =	swait.ge [sflag:s25], $0x2000  }
0x96: {  	s12 =	rddreg [dreg:$0x5];
	[sflag:s25] =	ssyncset.done $0x0  }
0x97: {  	s14 =	rddreg [dreg:$0x18];
	[sflag:s25] =	ssyncadd.s32 $0xFFFFE000;
	s0 =	sadd.s32 $0x0, s12  }
0x98: {  	[hbm4b:s0+s1] =	stream.linear.scatter [tilespmem:s14], [sflag:$0x14], $0x2000, $0x38;
	[tilespmem:$0x10400] =	vst v63  }
0x99: {  	_ =	swait.ge [sflag:s26], $0x2000  }
0x9a: {  	s30 =	simm.s32 $0x1000;
	s31 =	simm.s32 $0x2000;
	s5 =	rddreg [dreg:$0x7]  }
0x9b: {  	s2 =	simm.s32 $0x0;
	[sflag:s26] =	ssyncset.done $0x0;
	s29 =	rddreg [dreg:$0x6]  }
0x9c: {  	s0 =	simm.s32 $0x0;
	s28 =	rddreg [dreg:$0x12];
	[sflag:s26] =	ssyncadd.s32 $0xFFFFE000  }
.LBB2_2:
0x9d: {  	s6 =	rddreg [dreg:$0x11]  }
0x9e: {  	s0 =	sadd.s32 $0x40, s0;
	s9 =	rddreg [dreg:$0xb];
	s2 =	sadd.s32 s2, s29  }
0x9f: {  	[hbm4b:s2+s1] =	stream.linear.scatter [tilespmem:s18], [sflag:$0x18], $0x2000, $0x38;
	[tilespmem:$0x10400] =	vst v63  }
0xa0: {  	s8 =	smov.u32 s31;
	s29 =	rddreg [dreg:$0x10];
	s28 =	sadd.s32 s0, s28  }
0xa1: {  	[tilespmem:s1], [sflag:$0x1] =	stream.linear.gather [hbm4b:s28+s1], $0x80, $0x38;
	[tilespmem:$0x10400] =	vst v63  }
0xa2: {  	s10 =	simm.s32 $0x200;
	s2 =	smov.u32 s30;
	s6 =	sadd.s32 s0, s6  }
0xa3: {  	[tilespmem:s10], [sflag:$0x5] =	stream.linear.gather [hbm4b:s6+s1], $0x80, $0x38;
	[tilespmem:$0x10400] =	vst v63  }
0xa4: {  	s30 =	smov.u32 s8;
	s8 =	sadd.s32 s0, s29;
	s28 =	rddreg [dreg:$0xf]  }
0xa5: {  	[tilespmem:s7], [sflag:$0x2] =	stream.linear.gather [hbm4b:s8+s1], $0x80, $0x38;
	[tilespmem:$0x10400] =	vst v63  }
0xa6: {  	s12 =	rddreg [dreg:$0xc];
	s29 =	simm.s32 $0x280;
	s14 =	sadd.s32 s0, s28  }
0xa7: {  	[tilespmem:s29], [sflag:$0x6] =	stream.linear.gather [hbm4b:s14+s1], $0x80, $0x38;
	[tilespmem:$0x10400] =	vst v63  }
0xa8: {  	s12 =	sadd.s32 s0, s12;
	s28 =	rddreg [dreg:$0x13]  }
0xa9: {  	[tilespmem:s28], [sflag:$0x3] =	stream.linear.gather [hbm4b:s12+s1], $0x80, $0x38;
	[tilespmem:$0x10400] =	vst v63  }
0xaa: {  	s8 =	rddreg [dreg:$0x8];
	s14 =	sadd.s32 s0, s9;
	s12 =	simm.s32 $0x300  }
0xab: {  	[tilespmem:s12], [sflag:$0x7] =	stream.linear.gather [hbm4b:s14+s1], $0x80, $0x38;
	[tilespmem:$0x10400] =	vst v63  }
0xac: {  	s9 =	rddreg [dreg:$0x14];
	s14 =	sadd.s32 s0, s8  }
0xad: {  	[tilespmem:s9], [sflag:$0x4] =	stream.linear.gather [hbm4b:s14+s1], $0x80, $0x38;
	[tilespmem:$0x10400] =	vst v63  }
0xae: {  	s5 =	sadd.s32 s0, s5;
	s14 =	simm.s32 $0x380  }
0xaf: {  	[tilespmem:s14], [sflag:$0x8] =	stream.linear.gather [hbm4b:s5+s1], $0x80, $0x38;
	[tilespmem:$0x10400] =	vst v63  }
0xb0: {  	p1 =	seq.s32 s2, $0x0;
	_ =	swait.ge [sflag:s11], $0x80  }
0xb1: {  	s6 =	simm.s32 @p1 $0x0;
	s8 =	simm.s32 @p1 $0x400;
	[sflag:s11] =	ssyncset.done $0x0  }
0xb2: {  	s9 =	simm.s32 @p1 $0x5;
	s5 =	simm.s32 @p1 $0x80;
	[sflag:s11] =	ssyncadd.s32 $0xFFFFFF80  }
0xb3: {  	[tilespmem:s8], [sflag:$0x9] =	stream.indirect.gather @p1 [hbm4b:s3+s5], $0x40, s6, s5, $0xb8;
	[tilespmem:$0x10400] =	vst v63  }
0xb4: {  	_ =	swait.ge @p1 [sflag:s9], $0x80  }
0xb5: {  	[sflag:s9] =	ssyncset.done @p1 $0x0  }
0xb6: {  	s6 =	simm.s32 @!p1 $0x11;
	[sflag:s9] =	ssyncadd.s32 @p1 $0xFFFFFF80  }
0xb7: {  	_ =	swait.ge @!p1 [sflag:s6], $0x2000  }
0xb8: {  	s28 =	simm.s32 @!p1 $0x80;
	s8 =	simm.s32 @!p1 $0x400;
	[sflag:s6] =	ssyncset.done @!p1 $0x0  }
0xb9: {  	s9 =	simm.s32 @!p1 $0x0;
	[sflag:s6] =	ssyncadd.s32 @!p1 $0xFFFFE000;
	s6 =	simm.s32 @!p1 $0x5  }
0xba: {  	[tilespmem:s8], [sflag:$0x9] =	stream.indirect.gather @!p1 [hbm4b:s3+s28], $0x40, s9, s28, $0xb8;
	[tilespmem:$0x10400] =	vst v63  }
0xbb: {  	_ =	swait.ge @!p1 [sflag:s6], $0x80  }
0xbc: {  	[sflag:s6] =	ssyncset.done @!p1 $0x0  }
0xbd: {  	s8 =	simm.s32 @!p1 $0x15;
	[sflag:s6] =	ssyncadd.s32 @!p1 $0xFFFFFF80  }
0xbe: {  	_ =	swait.ge @!p1 [sflag:s8], $0x2000  }
0xbf: {  	[sflag:s8] =	ssyncset.done @!p1 $0x0  }
0xc0: {  	[sflag:s8] =	ssyncadd.s32 @!p1 $0xFFFFE000  }
0xc1: {  	[tilespmem:s16], [sflag:$0xD] =	stream.indirect.gather [hbm4b:s4+s7], $0x40, s10, s7, $0xb8;
	[tilespmem:$0x10400] =	vst v63  }
0xc2: {  	_ =	swait.ge [sflag:s13], $0x80  }
0xc3: {  	[sflag:s13] =	ssyncset.done $0x0  }
0xc4: {  	s6 =	simm.s32 @p1 $0x2400;
	s8 =	simm.s32 @p1 $0x6;
	[sflag:s13] =	ssyncadd.s32 $0xFFFFFF80  }
0xc5: {  	[tilespmem:s6], [sflag:$0xA] =	stream.indirect.gather @p1 [hbm4b:s3+s5], $0x40, s5, s5, $0xb8;
	[tilespmem:$0x10400] =	vst v63  }
0xc6: {  	_ =	swait.ge @p1 [sflag:s8], $0x80  }
0xc7: {  	[sflag:s8] =	ssyncset.done @p1 $0x0  }
0xc8: {  	s6 =	simm.s32 @!p1 $0x12;
	[sflag:s8] =	ssyncadd.s32 @p1 $0xFFFFFF80  }
0xc9: {  	_ =	swait.ge @!p1 [sflag:s6], $0x2000  }
0xca: {  	[sflag:s6] =	ssyncset.done @!p1 $0x0  }
0xcb: {  	s8 =	simm.s32 @!p1 $0x2400;
	[sflag:s6] =	ssyncadd.s32 @!p1 $0xFFFFE000;
	s6 =	simm.s32 @!p1 $0x6  }
0xcc: {  	[tilespmem:s8], [sflag:$0xA] =	stream.indirect.gather @!p1 [hbm4b:s3+s28], $0x40, s28, s28, $0xb8;
	[tilespmem:$0x10400] =	vst v63  }
0xcd: {  	_ =	swait.ge @!p1 [sflag:s6], $0x80  }
0xce: {  	[sflag:s6] =	ssyncset.done @!p1 $0x0  }
0xcf: {  	s8 =	simm.s32 @!p1 $0x16;
	[sflag:s6] =	ssyncadd.s32 @!p1 $0xFFFFFF80  }
0xd0: {  	_ =	swait.ge @!p1 [sflag:s8], $0x2000  }
0xd1: {  	[sflag:s8] =	ssyncset.done @!p1 $0x0  }
0xd2: {  	s10 =	simm.s32 $0xA400;
	[sflag:s8] =	ssyncadd.s32 @!p1 $0xFFFFE000  }
0xd3: {  	[tilespmem:s10], [sflag:$0xE] =	stream.indirect.gather [hbm4b:s4+s7], $0x40, s29, s7, $0xb8;
	[tilespmem:$0x10400] =	vst v63  }
0xd4: {  	_ =	swait.ge [sflag:s15], $0x80  }
0xd5: {  	s9 =	simm.s32 @p1 $0x7;
	[sflag:s15] =	ssyncset.done $0x0  }
0xd6: {  	s6 =	simm.s32 @p1 $0x100;
	s8 =	simm.s32 @p1 $0x4400;
	[sflag:s15] =	ssyncadd.s32 $0xFFFFFF80  }
0xd7: {  	[tilespmem:s8], [sflag:$0xB] =	stream.indirect.gather @p1 [hbm4b:s3+s5], $0x40, s6, s5, $0xb8;
	[tilespmem:$0x10400] =	vst v63  }
0xd8: {  	_ =	swait.ge @p1 [sflag:s9], $0x80  }
0xd9: {  	[sflag:s9] =	ssyncset.done @p1 $0x0  }
0xda: {  	s6 =	simm.s32 @!p1 $0x13;
	[sflag:s9] =	ssyncadd.s32 @p1 $0xFFFFFF80  }
0xdb: {  	_ =	swait.ge @!p1 [sflag:s6], $0x2000  }
0xdc: {  	s8 =	simm.s32 @!p1 $0x100;
	[sflag:s6] =	ssyncset.done @!p1 $0x0  }
0xdd: {  	s9 =	simm.s32 @!p1 $0x4400;
	[sflag:s6] =	ssyncadd.s32 @!p1 $0xFFFFE000;
	s6 =	simm.s32 @!p1 $0x7  }
0xde: {  	[tilespmem:s9], [sflag:$0xB] =	stream.indirect.gather @!p1 [hbm4b:s3+s28], $0x40, s8, s28, $0xb8;
	[tilespmem:$0x10400] =	vst v63  }
0xdf: {  	_ =	swait.ge @!p1 [sflag:s6], $0x80  }
0xe0: {  	[sflag:s6] =	ssyncset.done @!p1 $0x0  }
0xe1: {  	s8 =	simm.s32 @!p1 $0x17;
	[sflag:s6] =	ssyncadd.s32 @!p1 $0xFFFFFF80  }
0xe2: {  	_ =	swait.ge @!p1 [sflag:s8], $0x2000  }
0xe3: {  	[sflag:s8] =	ssyncset.done @!p1 $0x0  }
0xe4: {  	s29 =	simm.s32 $0xC400;
	[sflag:s8] =	ssyncadd.s32 @!p1 $0xFFFFE000  }
0xe5: {  	[tilespmem:s29], [sflag:$0xF] =	stream.indirect.gather [hbm4b:s4+s7], $0x40, s12, s7, $0xb8;
	[tilespmem:$0x10400] =	vst v63  }
0xe6: {  	_ =	swait.ge [sflag:s17], $0x80  }
0xe7: {  	s9 =	simm.s32 @p1 $0x8;
	[sflag:s17] =	ssyncset.done $0x0  }
0xe8: {  	s6 =	simm.s32 @p1 $0x180;
	s8 =	simm.s32 @p1 $0x6400;
	[sflag:s17] =	ssyncadd.s32 $0xFFFFFF80  }
0xe9: {  	[tilespmem:s8], [sflag:$0xC] =	stream.indirect.gather @p1 [hbm4b:s3+s5], $0x40, s6, s5, $0xb8;
	[tilespmem:$0x10400] =	vst v63  }
0xea: {  	_ =	swait.ge @p1 [sflag:s9], $0x80  }
0xeb: {  	[sflag:s9] =	ssyncset.done @p1 $0x0  }
0xec: {  	s5 =	simm.s32 @!p1 $0x14;
	[sflag:s9] =	ssyncadd.s32 @p1 $0xFFFFFF80  }
0xed: {  	_ =	swait.ge @!p1 [sflag:s5], $0x2000  }
0xee: {  	s6 =	simm.s32 @!p1 $0x180;
	[sflag:s5] =	ssyncset.done @!p1 $0x0  }
0xef: {  	s8 =	simm.s32 @!p1 $0x6400;
	[sflag:s5] =	ssyncadd.s32 @!p1 $0xFFFFE000;
	s5 =	simm.s32 @!p1 $0x8  }
0xf0: {  	[tilespmem:s8], [sflag:$0xC] =	stream.indirect.gather @!p1 [hbm4b:s3+s28], $0x40, s6, s28, $0xb8;
	[tilespmem:$0x10400] =	vst v63  }
0xf1: {  	_ =	swait.ge @!p1 [sflag:s5], $0x80  }
0xf2: {  	[sflag:s5] =	ssyncset.done @!p1 $0x0  }
0xf3: {  	s6 =	simm.s32 @!p1 $0x18;
	[sflag:s5] =	ssyncadd.s32 @!p1 $0xFFFFFF80  }
0xf4: {  	_ =	swait.ge @!p1 [sflag:s6], $0x2000  }
0xf5: {  	[sflag:s6] =	ssyncset.done @!p1 $0x0  }
0xf6: {  	[sflag:s6] =	ssyncadd.s32 @!p1 $0xFFFFE000  }
0xf7: {  	[tilespmem:s18], [sflag:$0x10] =	stream.indirect.gather [hbm4b:s4+s7], $0x40, s14, s7, $0xb8;
	[tilespmem:$0x10400] =	vst v63  }
0xf8: {  	_ =	swait.ge [sflag:s19], $0x2000  }
0xf9: {  	s6 =	rddreg [dreg:$0x4];
	[sflag:s19] =	ssyncset.done $0x0  }
0xfa: {  	s8 =	rddreg [dreg:$0x15];
	[sflag:s19] =	ssyncadd.s32 $0xFFFFE000;
	s5 =	sadd.s32 s2, s6  }
0xfb: {  	[hbm4b:s5+s1] =	stream.linear.scatter [tilespmem:s8], [sflag:$0x11], $0x2000, $0x38;
	[tilespmem:$0x10400] =	vst v63  }
0xfc: {  	_ =	swait.ge [sflag:s20], $0x2000  }
0xfd: {  	s9 =	rddreg [dreg:$0x3];
	[sflag:s20] =	ssyncset.done $0x0  }
0xfe: {  	[sflag:s20] =	ssyncadd.s32 $0xFFFFE000;
	s5 =	sadd.s32 s2, s9  }
0xff: {  	[hbm4b:s5+s1] =	stream.linear.scatter [tilespmem:s16], [sflag:$0x15], $0x2000, $0x38;
	[tilespmem:$0x10400] =	vst v63  }
0x100: {  	_ =	swait.ge [sflag:s21], $0x2000  }
0x101: {  	s12 =	rddreg [dreg:$0xd];
	[sflag:s21] =	ssyncset.done $0x0  }
0x102: {  	s14 =	rddreg [dreg:$0x16];
	[sflag:s21] =	ssyncadd.s32 $0xFFFFE000;
	s5 =	sadd.s32 s2, s12  }
0x103: {  	[hbm4b:s5+s1] =	stream.linear.scatter [tilespmem:s14], [sflag:$0x12], $0x2000, $0x38;
	[tilespmem:$0x10400] =	vst v63  }
0x104: {  	_ =	swait.ge [sflag:s22], $0x2000  }
0x105: {  	s6 =	rddreg [dreg:$0xe];
	[sflag:s22] =	ssyncset.done $0x0  }
0x106: {  	[sflag:s22] =	ssyncadd.s32 $0xFFFFE000;
	s5 =	sadd.s32 s2, s6  }
0x107: {  	[hbm4b:s5+s1] =	stream.linear.scatter [tilespmem:s10], [sflag:$0x16], $0x2000, $0x38;
	[tilespmem:$0x10400] =	vst v63  }
0x108: {  	_ =	swait.ge [sflag:s23], $0x2000  }
0x109: {  	s8 =	rddreg [dreg:$0x9];
	[sflag:s23] =	ssyncset.done $0x0  }
0x10a: {  	s9 =	rddreg [dreg:$0x17];
	[sflag:s23] =	ssyncadd.s32 $0xFFFFE000;
	s5 =	sadd.s32 s2, s8  }
0x10b: {  	[hbm4b:s5+s1] =	stream.linear.scatter [tilespmem:s9], [sflag:$0x13], $0x2000, $0x38;
	[tilespmem:$0x10400] =	vst v63  }
0x10c: {  	_ =	swait.ge [sflag:s24], $0x2000  }
0x10d: {  	s10 =	rddreg [dreg:$0xa];
	[sflag:s24] =	ssyncset.done $0x0  }
0x10e: {  	[sflag:s24] =	ssyncadd.s32 $0xFFFFE000;
	s5 =	sadd.s32 s2, s10  }
0x10f: {  	[hbm4b:s5+s1] =	stream.linear.scatter [tilespmem:s29], [sflag:$0x17], $0x2000, $0x38;
	[tilespmem:$0x10400] =	vst v63  }
0x110: {  	s31 =	sadd.s32 $0x1000, s31;
	_ =	swait.ge [sflag:s25], $0x2000  }
0x111: {  	p0 =	sne.s32 s31, $0x8000;
	s12 =	rddreg [dreg:$0x5];
	[sflag:s25] =	ssyncset.done $0x0  }
0x112: {  	s14 =	rddreg [dreg:$0x18];
	[sflag:s25] =	ssyncadd.s32 $0xFFFFE000;
	s5 =	sadd.s32 s2, s12  }
0x113: {  	[hbm4b:s5+s1] =	stream.linear.scatter [tilespmem:s14], [sflag:$0x14], $0x2000, $0x38;
	[tilespmem:$0x10400] =	vst v63  }
.Ltmp0:
0x114: {  	_ = 	snop;
	(pc) =	sbr.rel @p0 .LBB2_2-.Ltmp0, $4  }
0x115: {  	_ =	swait.ge [sflag:s26], $0x2000  }
0x116: {  	s5 =	rddreg [dreg:$0x7]  }
0x117: {  	[sflag:s26] =	ssyncset.done $0x0;
	s29 =	rddreg [dreg:$0x6]  }
0x118: {  	s28 =	rddreg [dreg:$0x12];
	[sflag:s26] =	ssyncadd.s32 $0xFFFFE000  }
0x119: {  	s2 =	sadd.s32 s2, s29;
	s6 =	rddreg [dreg:$0x11];
	s0 =	sadd.s32 $0x40, s0  }
0x11a: {  	[hbm4b:s2+s1] =	stream.linear.scatter [tilespmem:s18], [sflag:$0x18], $0x2000, $0x38;
	[tilespmem:$0x10400] =	vst v63  }
0x11b: {  	s8 =	rddreg [dreg:$0x10];
	s9 =	sadd.s32 s0, s28  }
0x11c: {  	[tilespmem:s1], [sflag:$0x1] =	stream.linear.gather [hbm4b:s9+s1], $0x80, $0x38;
	[tilespmem:$0x10400] =	vst v63  }
0x11d: {  	s12 =	rddreg [dreg:$0xf];
	s10 =	sadd.s32 s0, s6;
	s9 =	simm.s32 $0x200  }
0x11e: {  	[tilespmem:s9], [sflag:$0x5] =	stream.linear.gather [hbm4b:s10+s1], $0x80, $0x38;
	[tilespmem:$0x10400] =	vst v63  }
0x11f: {  	s31 =	rddreg [dreg:$0x13];
	s14 =	sadd.s32 s0, s8  }
0x120: {  	[tilespmem:s7], [sflag:$0x2] =	stream.linear.gather [hbm4b:s14+s1], $0x80, $0x38;
	[tilespmem:$0x10400] =	vst v63  }
0x121: {  	s28 =	rddreg [dreg:$0xc];
	s29 =	sadd.s32 s0, s12;
	s10 =	simm.s32 $0x280  }
0x122: {  	[tilespmem:s10], [sflag:$0x6] =	stream.linear.gather [hbm4b:s29+s1], $0x80, $0x38;
	[tilespmem:$0x10400] =	vst v63  }
0x123: {  	s12 =	rddreg [dreg:$0xb];
	s8 =	sadd.s32 s0, s28  }
0x124: {  	[tilespmem:s31], [sflag:$0x3] =	stream.linear.gather [hbm4b:s8+s1], $0x80, $0x38;
	[tilespmem:$0x10400] =	vst v63  }
0x125: {  	s2 =	sadd.s32 s0, s12;
	s12 =	simm.s32 $0x300;
	s14 =	rddreg [dreg:$0x8]  }
0x126: {  	[tilespmem:s12], [sflag:$0x7] =	stream.linear.gather [hbm4b:s2+s1], $0x80, $0x38;
	[tilespmem:$0x10400] =	vst v63  }
0x127: {  	s28 =	rddreg [dreg:$0x14];
	s29 =	sadd.s32 s0, s14  }
0x128: {  	[tilespmem:s28], [sflag:$0x4] =	stream.linear.gather [hbm4b:s29+s1], $0x80, $0x38;
	[tilespmem:$0x10400] =	vst v63  }
0x129: {  	s0 =	sadd.s32 s0, s5;
	s31 =	simm.s32 $0x380  }
0x12a: {  	[tilespmem:s31], [sflag:$0x8] =	stream.linear.gather [hbm4b:s0+s1], $0x80, $0x38;
	[tilespmem:$0x10400] =	vst v63  }
0x12b: {  	p0 =	seq.s32 s30, $0x0;
	_ =	swait.ge [sflag:s11], $0x80  }
0x12c: {  	s6 =	simm.s32 @p0 $0x5;
	s5 =	simm.s32 @p0 $0x400;
	[sflag:s11] =	ssyncset.done $0x0  }
0x12d: {  	s2 =	simm.s32 @p0 $0x0;
	s0 =	simm.s32 @p0 $0x80;
	[sflag:s11] =	ssyncadd.s32 $0xFFFFFF80  }
0x12e: {  	[tilespmem:s5], [sflag:$0x9] =	stream.indirect.gather @p0 [hbm4b:s3+s0], $0x40, s2, s0, $0xb8;
	[tilespmem:$0x10400] =	vst v63  }
0x12f: {  	_ =	swait.ge @p0 [sflag:s6], $0x80  }
0x130: {  	[sflag:s6] =	ssyncset.done @p0 $0x0  }
0x131: {  	s5 =	simm.s32 @!p0 $0x11;
	[sflag:s6] =	ssyncadd.s32 @p0 $0xFFFFFF80  }
0x132: {  	_ =	swait.ge @!p0 [sflag:s5], $0x2000  }
0x133: {  	s2 =	simm.s32 @!p0 $0x80;
	[sflag:s5] =	ssyncset.done @!p0 $0x0  }
0x134: {  	s6 =	simm.s32 @!p0 $0x400;
	[sflag:s5] =	ssyncadd.s32 @!p0 $0xFFFFE000;
	s5 =	simm.s32 @!p0 $0x0  }
0x135: {  	[tilespmem:s6], [sflag:$0x9] =	stream.indirect.gather @!p0 [hbm4b:s3+s2], $0x40, s5, s2, $0xb8;
	[tilespmem:$0x10400] =	vst v63  }
0x136: {  	s5 =	simm.s32 @!p0 $0x5  }
0x137: {  	_ =	swait.ge @!p0 [sflag:s5], $0x80  }
0x138: {  	[sflag:s5] =	ssyncset.done @!p0 $0x0  }
0x139: {  	s6 =	simm.s32 @!p0 $0x15;
	[sflag:s5] =	ssyncadd.s32 @!p0 $0xFFFFFF80  }
0x13a: {  	_ =	swait.ge @!p0 [sflag:s6], $0x2000  }
0x13b: {  	[sflag:s6] =	ssyncset.done @!p0 $0x0  }
0x13c: {  	s14 =	simm.s32 $0x8400;
	[sflag:s6] =	ssyncadd.s32 @!p0 $0xFFFFE000  }
0x13d: {  	[tilespmem:s14], [sflag:$0xD] =	stream.indirect.gather [hbm4b:s4+s7], $0x40, s9, s7, $0xb8;
	[tilespmem:$0x10400] =	vst v63  }
0x13e: {  	_ =	swait.ge [sflag:s13], $0x80  }
0x13f: {  	[sflag:s13] =	ssyncset.done $0x0  }
0x140: {  	s5 =	simm.s32 @p0 $0x2400;
	s6 =	simm.s32 @p0 $0x6;
	[sflag:s13] =	ssyncadd.s32 $0xFFFFFF80  }
0x141: {  	[tilespmem:s5], [sflag:$0xA] =	stream.indirect.gather @p0 [hbm4b:s3+s0], $0x40, s0, s0, $0xb8;
	[tilespmem:$0x10400] =	vst v63  }
0x142: {  	_ =	swait.ge @p0 [sflag:s6], $0x80  }
0x143: {  	[sflag:s6] =	ssyncset.done @p0 $0x0  }
0x144: {  	s5 =	simm.s32 @!p0 $0x12;
	[sflag:s6] =	ssyncadd.s32 @p0 $0xFFFFFF80  }
0x145: {  	_ =	swait.ge @!p0 [sflag:s5], $0x2000  }
0x146: {  	[sflag:s5] =	ssyncset.done @!p0 $0x0  }
0x147: {  	s6 =	simm.s32 @!p0 $0x2400;
	[sflag:s5] =	ssyncadd.s32 @!p0 $0xFFFFE000;
	s5 =	simm.s32 @!p0 $0x6  }
0x148: {  	[tilespmem:s6], [sflag:$0xA] =	stream.indirect.gather @!p0 [hbm4b:s3+s2], $0x40, s2, s2, $0xb8;
	[tilespmem:$0x10400] =	vst v63  }
0x149: {  	_ =	swait.ge @!p0 [sflag:s5], $0x80  }
0x14a: {  	[sflag:s5] =	ssyncset.done @!p0 $0x0  }
0x14b: {  	s6 =	simm.s32 @!p0 $0x16;
	[sflag:s5] =	ssyncadd.s32 @!p0 $0xFFFFFF80  }
0x14c: {  	_ =	swait.ge @!p0 [sflag:s6], $0x2000  }
0x14d: {  	[sflag:s6] =	ssyncset.done @!p0 $0x0  }
0x14e: {  	s28 =	simm.s32 $0xA400;
	[sflag:s6] =	ssyncadd.s32 @!p0 $0xFFFFE000  }
0x14f: {  	[tilespmem:s28], [sflag:$0xE] =	stream.indirect.gather [hbm4b:s4+s7], $0x40, s10, s7, $0xb8;
	[tilespmem:$0x10400] =	vst v63  }
0x150: {  	_ =	swait.ge [sflag:s15], $0x80  }
0x151: {  	[sflag:s15] =	ssyncset.done $0x0  }
0x152: {  	s5 =	simm.s32 @p0 $0x100;
	s6 =	simm.s32 @p0 $0x4400;
	[sflag:s15] =	ssyncadd.s32 $0xFFFFFF80  }
0x153: {  	[tilespmem:s6], [sflag:$0xB] =	stream.indirect.gather @p0 [hbm4b:s3+s0], $0x40, s5, s0, $0xb8;
	[tilespmem:$0x10400] =	vst v63  }
0x154: {  	s5 =	simm.s32 @p0 $0x7  }
0x155: {  	_ =	swait.ge @p0 [sflag:s5], $0x80  }
0x156: {  	[sflag:s5] =	ssyncset.done @p0 $0x0  }
0x157: {  	s6 =	simm.s32 @!p0 $0x13;
	[sflag:s5] =	ssyncadd.s32 @p0 $0xFFFFFF80  }
0x158: {  	_ =	swait.ge @!p0 [sflag:s6], $0x2000  }
0x159: {  	[sflag:s6] =	ssyncset.done @!p0 $0x0  }
0x15a: {  	s5 =	simm.s32 @!p0 $0x100;
	[sflag:s6] =	ssyncadd.s32 @!p0 $0xFFFFE000;
	s6 =	simm.s32 @!p0 $0x4400  }
0x15b: {  	[tilespmem:s6], [sflag:$0xB] =	stream.indirect.gather @!p0 [hbm4b:s3+s2], $0x40, s5, s2, $0xb8;
	[tilespmem:$0x10400] =	vst v63  }
0x15c: {  	s5 =	simm.s32 @!p0 $0x7  }
0x15d: {  	_ =	swait.ge @!p0 [sflag:s5], $0x80  }
0x15e: {  	[sflag:s5] =	ssyncset.done @!p0 $0x0  }
0x15f: {  	s6 =	simm.s32 @!p0 $0x17;
	[sflag:s5] =	ssyncadd.s32 @!p0 $0xFFFFFF80  }
0x160: {  	_ =	swait.ge @!p0 [sflag:s6], $0x2000  }
0x161: {  	[sflag:s6] =	ssyncset.done @!p0 $0x0  }
0x162: {  	s10 =	simm.s32 $0xC400;
	[sflag:s6] =	ssyncadd.s32 @!p0 $0xFFFFE000  }
0x163: {  	[tilespmem:s10], [sflag:$0xF] =	stream.indirect.gather [hbm4b:s4+s7], $0x40, s12, s7, $0xb8;
	[tilespmem:$0x10400] =	vst v63  }
0x164: {  	_ =	swait.ge [sflag:s17], $0x80  }
0x165: {  	[sflag:s17] =	ssyncset.done $0x0  }
0x166: {  	s5 =	simm.s32 @p0 $0x180;
	s6 =	simm.s32 @p0 $0x6400;
	[sflag:s17] =	ssyncadd.s32 $0xFFFFFF80  }
0x167: {  	[tilespmem:s6], [sflag:$0xC] =	stream.indirect.gather @p0 [hbm4b:s3+s0], $0x40, s5, s0, $0xb8;
	[tilespmem:$0x10400] =	vst v63  }
0x168: {  	s0 =	simm.s32 @p0 $0x8  }
0x169: {  	_ =	swait.ge @p0 [sflag:s0], $0x80  }
0x16a: {  	[sflag:s0] =	ssyncset.done @p0 $0x0  }
0x16b: {  	s5 =	simm.s32 @!p0 $0x14;
	[sflag:s0] =	ssyncadd.s32 @p0 $0xFFFFFF80  }
0x16c: {  	_ =	swait.ge @!p0 [sflag:s5], $0x2000  }
0x16d: {  	[sflag:s5] =	ssyncset.done @!p0 $0x0  }
0x16e: {  	s0 =	simm.s32 @!p0 $0x180;
	[sflag:s5] =	ssyncadd.s32 @!p0 $0xFFFFE000;
	s5 =	simm.s32 @!p0 $0x6400  }
0x16f: {  	[tilespmem:s5], [sflag:$0xC] =	stream.indirect.gather @!p0 [hbm4b:s3+s2], $0x40, s0, s2, $0xb8;
	[tilespmem:$0x10400] =	vst v63  }
0x170: {  	s0 =	simm.s32 @!p0 $0x8  }
0x171: {  	_ =	swait.ge @!p0 [sflag:s0], $0x80  }
0x172: {  	[sflag:s0] =	ssyncset.done @!p0 $0x0  }
0x173: {  	s2 =	simm.s32 @!p0 $0x18;
	[sflag:s0] =	ssyncadd.s32 @!p0 $0xFFFFFF80  }
0x174: {  	_ =	swait.ge @!p0 [sflag:s2], $0x2000  }
0x175: {  	[sflag:s2] =	ssyncset.done @!p0 $0x0  }
0x176: {  	[sflag:s2] =	ssyncadd.s32 @!p0 $0xFFFFE000  }
0x177: {  	[tilespmem:s18], [sflag:$0x10] =	stream.indirect.gather [hbm4b:s4+s7], $0x40, s31, s7, $0xb8;
	[tilespmem:$0x10400] =	vst v63  }
0x178: {  	_ =	swait.ge [sflag:s19], $0x2000  }
0x179: {  	s29 =	rddreg [dreg:$0x4];
	[sflag:s19] =	ssyncset.done $0x0  }
0x17a: {  	s31 =	rddreg [dreg:$0x15];
	[sflag:s19] =	ssyncadd.s32 $0xFFFFE000;
	s0 =	sadd.s32 s30, s29  }
0x17b: {  	[hbm4b:s0+s1] =	stream.linear.scatter [tilespmem:s31], [sflag:$0x11], $0x2000, $0x38;
	[tilespmem:$0x10400] =	vst v63  }
0x17c: {  	_ =	swait.ge [sflag:s20], $0x2000  }
0x17d: {  	s2 =	rddreg [dreg:$0x3];
	[sflag:s20] =	ssyncset.done $0x0  }
0x17e: {  	[sflag:s20] =	ssyncadd.s32 $0xFFFFE000;
	s0 =	sadd.s32 s30, s2  }
0x17f: {  	[hbm4b:s0+s1] =	stream.linear.scatter [tilespmem:s14], [sflag:$0x15], $0x2000, $0x38;
	[tilespmem:$0x10400] =	vst v63  }
0x180: {  	_ =	swait.ge [sflag:s21], $0x2000  }
0x181: {  	s5 =	rddreg [dreg:$0xd];
	[sflag:s21] =	ssyncset.done $0x0  }
0x182: {  	s6 =	rddreg [dreg:$0x16];
	[sflag:s21] =	ssyncadd.s32 $0xFFFFE000;
	s0 =	sadd.s32 s30, s5  }
0x183: {  	[hbm4b:s0+s1] =	stream.linear.scatter [tilespmem:s6], [sflag:$0x12], $0x2000, $0x38;
	[tilespmem:$0x10400] =	vst v63  }
0x184: {  	_ =	swait.ge [sflag:s22], $0x2000  }
0x185: {  	s8 =	rddreg [dreg:$0xe];
	[sflag:s22] =	ssyncset.done $0x0  }
0x186: {  	[sflag:s22] =	ssyncadd.s32 $0xFFFFE000;
	s0 =	sadd.s32 s30, s8  }
0x187: {  	[hbm4b:s0+s1] =	stream.linear.scatter [tilespmem:s28], [sflag:$0x16], $0x2000, $0x38;
	[tilespmem:$0x10400] =	vst v63  }
0x188: {  	_ =	swait.ge [sflag:s23], $0x2000  }
0x189: {  	s12 =	rddreg [dreg:$0x9];
	[sflag:s23] =	ssyncset.done $0x0  }
0x18a: {  	s14 =	rddreg [dreg:$0x17];
	[sflag:s23] =	ssyncadd.s32 $0xFFFFE000;
	s0 =	sadd.s32 s30, s12  }
0x18b: {  	[hbm4b:s0+s1] =	stream.linear.scatter [tilespmem:s14], [sflag:$0x13], $0x2000, $0x38;
	[tilespmem:$0x10400] =	vst v63  }
0x18c: {  	_ =	swait.ge [sflag:s24], $0x2000  }
0x18d: {  	s28 =	rddreg [dreg:$0xa];
	[sflag:s24] =	ssyncset.done $0x0  }
0x18e: {  	[sflag:s24] =	ssyncadd.s32 $0xFFFFE000;
	s0 =	sadd.s32 s30, s28  }
0x18f: {  	[hbm4b:s0+s1] =	stream.linear.scatter [tilespmem:s10], [sflag:$0x17], $0x2000, $0x38;
	[tilespmem:$0x10400] =	vst v63  }
0x190: {  	_ =	swait.ge [sflag:s25], $0x2000  }
0x191: {  	s29 =	rddreg [dreg:$0x5];
	[sflag:s25] =	ssyncset.done $0x0  }
0x192: {  	s31 =	rddreg [dreg:$0x18];
	[sflag:s25] =	ssyncadd.s32 $0xFFFFE000;
	s0 =	sadd.s32 s30, s29  }
0x193: {  	[hbm4b:s0+s1] =	stream.linear.scatter [tilespmem:s31], [sflag:$0x14], $0x2000, $0x38;
	[tilespmem:$0x10400] =	vst v63  }
0x194: {  	_ =	swait.ge [sflag:s26], $0x2000  }
0x195: {  	s5 =	rddreg [dreg:$0x6];
	[sflag:s26] =	ssyncset.done $0x0  }
0x196: {  	s6 =	simm.s32 $0x11;
	s0 =	sadd.s32 s30, s5;
	[sflag:s26] =	ssyncadd.s32 $0xFFFFE000  }
0x197: {  	[hbm4b:s0+s1] =	stream.linear.scatter [tilespmem:s18], [sflag:$0x18], $0x2000, $0x38;
	[tilespmem:$0x10400] =	vst v63  }
0x198: {  	_ =	swait.ge [sflag:s6], $0x2000  }
0x199: {  	[sflag:s6] =	ssyncset.done $0x0  }
0x19a: {  	s8 =	simm.s32 $0x15;
	[sflag:s6] =	ssyncadd.s32 $0xFFFFE000  }
0x19b: {  	_ =	swait.ge [sflag:s8], $0x2000  }
0x19c: {  	[sflag:s8] =	ssyncset.done $0x0  }
0x19d: {  	s9 =	simm.s32 $0x12;
	[sflag:s8] =	ssyncadd.s32 $0xFFFFE000  }
0x19e: {  	_ =	swait.ge [sflag:s9], $0x2000  }
0x19f: {  	[sflag:s9] =	ssyncset.done $0x0  }
0x1a0: {  	s10 =	simm.s32 $0x16;
	[sflag:s9] =	ssyncadd.s32 $0xFFFFE000  }
0x1a1: {  	_ =	swait.ge [sflag:s10], $0x2000  }
0x1a2: {  	[sflag:s10] =	ssyncset.done $0x0  }
0x1a3: {  	s12 =	simm.s32 $0x13;
	[sflag:s10] =	ssyncadd.s32 $0xFFFFE000  }
0x1a4: {  	_ =	swait.ge [sflag:s12], $0x2000  }
0x1a5: {  	[sflag:s12] =	ssyncset.done $0x0  }
0x1a6: {  	s14 =	simm.s32 $0x17;
	[sflag:s12] =	ssyncadd.s32 $0xFFFFE000  }
0x1a7: {  	_ =	swait.ge [sflag:s14], $0x2000  }
0x1a8: {  	[sflag:s14] =	ssyncset.done $0x0  }
0x1a9: {  	s28 =	simm.s32 $0x14;
	[sflag:s14] =	ssyncadd.s32 $0xFFFFE000  }
0x1aa: {  	_ =	swait.ge [sflag:s28], $0x2000  }
0x1ab: {  	[sflag:s28] =	ssyncset.done $0x0  }
0x1ac: {  	s29 =	simm.s32 $0x18;
	[sflag:s28] =	ssyncadd.s32 $0xFFFFE000  }
0x1ad: {  	_ =	swait.ge [sflag:s29], $0x2000  }
0x1ae: {  	s30 =	rddreg [dreg:$0x1a]  }
0x1af: {  	s31 =	rddreg [dreg:$0x19];
	s5 =	sadd.s32 $0x1, s30  }
0x1b0: {  	p0 =	sne.s32 s5, s31  }
.Ltmp1:
0x1b1: {  	_ = 	snop;
	(pc) =	sbr.rel @p0 .LBB2_1-.Ltmp1, $3  }
0x1b2: {  	_ =	sdelay $0x1  }
0x1b3: {  	[sflag:s29] =	ssyncset.done $0x0  }
0x1b4: {  	[sflag:s29] =	ssyncadd.s32 $0xFFFFE000  }
0x1b5: {  	_ =	sfence.sel $0x180000  }
0x1b6: {  	[bflag:$0x0] =	sbarrier.arrive $0xFFFF  }
0x1b7: {  	_ =	strace $0x90000047  }
0x1b8: {  	s0 =	stileid.u32;
	[bflag:$0x2] =	sbarrier.arrive $0xFFFF  }
0x1b9: {  	p0 =	sne.s32 s0, $0x0;
	s0 =	rddreg [dreg:$0x2]  }
0x1ba: {  	s0 =	sadd.s32 @!p0 $0x100000, s0  }
0x1bb: {  	[sflag:s0] =	ssyncadd.tile.s32 @!p0 $0x1;
	_ =	shalt  }
.Lfunc_end2:
_tile_overlayer_lowered:
.L_overlay_start_2:
0x1bc: {  	(tag) =	ssettag $0x2  }
0x1bd: {  	s0 =	rddreg [dreg:$0x0];
	s2 =	stileid.u32  }
0x1be: {  	s1 =	rddreg [dreg:$0x1];
	p0 =	sne.s32 s2, $0x0  }
0x1bf: {  	s3 =	rddreg [dreg:$0x2];
	[bflag:$0x3] =	sbarrier.arrive $0xFFFF;
	s2 =	simm.s32 @!p0 $0x1C19  }
0x1c0: {  	[timem:s3], [sflag:s2] =	dma.local @!p0 [hbm:s0], s1  }
0x1c1: {  	s0 =	simm.s32 @!p0 $0x19  }
0x1c2: {  	_ =	swait.ge @!p0 [sflag:s0], s1  }
0x1c3: {  	s1 =	ssub.s32 @!p0 $0x0, s1;
	[sflag:s0] =	ssyncset.done @!p0 $0x0  }
0x1c4: {  	[sflag:s0] =	ssyncadd.s32 @!p0 s1  }
0x1c5: {  	[bflag:$0x3] =	sbarrier.arrive $0xFFFF  }
0x1c6: {  	_ =	shalt  }

</sc_bundles>
